<compile_context>
chip_gen: v7x
topology: tpu7x:2x2x1
jax: 0.10.2.dev20260603
libtpu: 0.0.44.dev20260713+nightly
codegen_flags: <defaults>
</compile_context>

<pallas_src>
import functools

import jax
import jax.numpy as jnp
from jax import lax
from jax.experimental import pallas as pl
from jax.experimental.pallas import tpu as pltpu
from jax.experimental.pallas import tpu_sc as plsc

N_COLS = 65536
D = 128
ATTR = 25
REM = 28

NC = 2
NS = 16
NW = NC * NS
ROWS_PER_W = N_COLS // NW
CH = 64
NCHUNK = ROWS_PER_W // CH
NSET = 4


def _proj_body(lvl_ref, typ_ref, feat_ref, exch_ref, pair_ref, w_ref, b_ref,
               li_ref, ti_ref, fi_ref, ei_ref,
               lt_ref, fe_ref, pp_ref, lti_ref, fei_ref):
    w = w_ref[...]
    dn = (((1,), (1,)), ((), ()))
    a_l = lax.dot_general(lvl_ref[...][:50, :ATTR], w[:, 0:ATTR], dn,
                          preferred_element_type=jnp.float32)
    a_t = lax.dot_general(typ_ref[...], w[:, ATTR:2 * ATTR], dn,
                          preferred_element_type=jnp.float32)
    a_f = lax.dot_general(feat_ref[...], w[:, 2 * ATTR:3 * ATTR], dn,
                          preferred_element_type=jnp.float32)
    a_e = lax.dot_general(exch_ref[...], w[:, 3 * ATTR:4 * ATTR], dn,
                          preferred_element_type=jnp.float32)
    lt_ref[...] = (a_l[:, None, :] + a_t[None, :, :]
                   + b_ref[...][None, None, :]).reshape(400, D)
    fe_ref[...] = (a_f[:, None, :] + a_e[None, :, :]).reshape(512, D)
    pp_ref[...] = lax.dot_general(pair_ref[...][:, :REM], w[:, 4 * ATTR:D],
                                  dn, preferred_element_type=jnp.float32)
    lti_ref[...] = li_ref[...] * 8 + ti_ref[...]
    fei_ref[...] = fi_ref[...] * 16 + ei_ref[...]


_proj_call = pl.pallas_call(
    _proj_body,
    out_shape=[
        jax.ShapeDtypeStruct((400, D), jnp.float32),
        jax.ShapeDtypeStruct((512, D), jnp.float32),
        jax.ShapeDtypeStruct((4096, D), jnp.float32),
        jax.ShapeDtypeStruct((N_COLS,), jnp.int32),
        jax.ShapeDtypeStruct((N_COLS,), jnp.int32),
    ],
)


def _sc_body(lti_hbm, fei_hbm, pi_hbm, plt_hbm, pfe_hbm, ppair_hbm, out_hbm,
             ia1, ia2, ia3,
             g10, g20, g30, g11, g21, g31, g12, g22, g32, g13, g23, g33,
             sh_lt, sh_fe,
             s10, s20, s30, s11, s21, s31, s12, s22, s32, s13, s23, s33,
             os0, os1, os2, os3):
    cid = lax.axis_index("c")
    sid = lax.axis_index("s")
    wid = sid * NC + cid
    base = wid * ROWS_PER_W

    @pl.when(sid == 0)
    def _():
        pltpu.sync_copy(plt_hbm, sh_lt)
        pltpu.sync_copy(pfe_hbm, sh_fe)

    pltpu.sync_copy(lti_hbm.at[pl.ds(base, ROWS_PER_W)], ia1)
    pltpu.sync_copy(fei_hbm.at[pl.ds(base, ROWS_PER_W)], ia2)
    pltpu.sync_copy(pi_hbm.at[pl.ds(base, ROWS_PER_W)], ia3)
    plsc.subcore_barrier()

    bufs = ((g10, g20, g30), (g11, g21, g31),
            (g12, g22, g32), (g13, g23, g33))
    gsems = ((s10, s20, s30), (s11, s21, s31),
             (s12, s22, s32), (s13, s23, s33))
    osems = (os0, os1, os2, os3)

    def g_copies(c, k):
        off = pl.multiple_of(c * CH, CH)
        srcs = (sh_lt.at[ia1.at[pl.ds(off, CH)]],
                sh_fe.at[ia2.at[pl.ds(off, CH)]],
                ppair_hbm.at[ia3.at[pl.ds(off, CH)]])
        return [pltpu.make_async_copy(s, b, m)
                for s, b, m in zip(srcs, bufs[k], gsems[k])]

    def out_copy(c, k):
        off = pl.multiple_of(c * CH, CH)
        return pltpu.make_async_copy(
            bufs[k][0], out_hbm.at[pl.ds(base + off, CH)], osems[k])

    def compute(k):
        g1, g2, g3 = bufs[k]

        @plsc.parallel_loop(0, CH, unroll=4)
        def row(r):
            for j in range(D // 16):
                sl = pl.ds(j * 16, 16)
                plsc.addupdate(g1.at[r, sl], g2[r, sl] + g3[r, sl])

    for cp in g_copies(0, 0):
        cp.start()
    for cp in g_copies(1, 1):
        cp.start()

    def quad(q, carry):
        for k in range(NSET):
            c = NSET * q + k
            for cp in g_copies(c, k):
                cp.wait()
            compute(k)
            out_copy(c, k).start()

            @pl.when(c >= 2)
            def _():
                out_copy(c - 2, (k - 2) % NSET).wait()

            @pl.when(c <= NCHUNK - 3)
            def _():
                for cp in g_copies(c + 2, (k + 2) % NSET):
                    cp.start()
        return carry

    lax.fori_loop(0, NCHUNK // NSET, quad, 0)
    out_copy(NCHUNK - 2, (NCHUNK - 2) % NSET).wait()
    out_copy(NCHUNK - 1, (NCHUNK - 1) % NSET).wait()


_sc_call = functools.partial(
    pl.kernel,
    mesh=plsc.VectorSubcoreMesh(core_axis_name="c", subcore_axis_name="s"),
    out_type=jax.ShapeDtypeStruct((N_COLS, D), jnp.float32),
    scratch_types=(
        [pltpu.VMEM((ROWS_PER_W,), jnp.int32)] * 3
        + [pltpu.VMEM((CH, D), jnp.float32)] * 12
        + [pltpu.VMEM_SHARED((400, D), jnp.float32),
           pltpu.VMEM_SHARED((512, D), jnp.float32)]
        + [pltpu.SemaphoreType.DMA] * 16
    ),
)(_sc_body)


def kernel(level_indices, type_indices, feature_indices, exchange_indices,
           pair_indices, level_table, type_table, feature_table,
           exchange_table, pair_table, W, b):
    lvl_p = jnp.pad(level_table, ((0, 6), (0, D - ATTR)))
    pair_p = jnp.pad(pair_table, ((0, 0), (0, D - REM)))
    lt, fe, pp, lti, fei = _proj_call(
        lvl_p, type_table, feature_table, exchange_table, pair_p,
        W, b.reshape(1, D),
        level_indices.astype(jnp.int32), type_indices.astype(jnp.int32),
        feature_indices.astype(jnp.int32), exchange_indices.astype(jnp.int32))
    out = _sc_call(lti, fei, pair_indices.astype(jnp.int32), lt, fe, pp)
    return out

# --- scband reference (transcript-rebuilt; emitter-appended) ---
"""Pipeline reference for scband-compound-multivariate-embedding-3255585210916 (READ-ONLY COPY).

The authoritative reference and input builder live on the scoring server;
editing this copy changes nothing except your own understanding.
"""

import jax, jax.numpy as jnp
import numpy as np

N_COLS = 65536
EMBED_DIM = 128
ATTR_DIM = EMBED_DIM // 5  # 25
REM_DIM = EMBED_DIM - ATTR_DIM * 4  # 28
N_LEVELS, N_TYPES, N_FEATS, N_EXCH, N_PAIRS = 50, 8, 32, 16, 4096


def setup_inputs(seed: int = 0) -> dict:
    key = jax.random.key(seed)
    ks = jax.random.split(key, 12)
    inp = {}
    inp["level_indices"] = jax.random.randint(ks[0], (N_COLS,), 0, N_LEVELS)
    inp["type_indices"] = jax.random.randint(ks[1], (N_COLS,), 0, N_TYPES)
    inp["feature_indices"] = jax.random.randint(ks[2], (N_COLS,), 0, N_FEATS)
    inp["exchange_indices"] = jax.random.randint(ks[3], (N_COLS,), 0, N_EXCH)
    inp["pair_indices"] = jax.random.randint(ks[4], (N_COLS,), 0, N_PAIRS)
    inp["level_table"] = jax.random.normal(ks[5], (N_LEVELS, ATTR_DIM), dtype=jnp.float32)
    inp["type_table"] = jax.random.normal(ks[6], (N_TYPES, ATTR_DIM), dtype=jnp.float32)
    inp["feature_table"] = jax.random.normal(ks[7], (N_FEATS, ATTR_DIM), dtype=jnp.float32)
    inp["exchange_table"] = jax.random.normal(ks[8], (N_EXCH, ATTR_DIM), dtype=jnp.float32)
    inp["pair_table"] = jax.random.normal(ks[9], (N_PAIRS, REM_DIM), dtype=jnp.float32)
    inp["W"] = jax.random.normal(ks[10], (EMBED_DIM, EMBED_DIM), dtype=jnp.float32) * 0.05
    inp["b"] = jnp.zeros((EMBED_DIM,), dtype=jnp.float32)
    return inp


def reference(level_indices, type_indices, feature_indices, exchange_indices, pair_indices,
              level_table, type_table, feature_table, exchange_table, pair_table, W, b):
    level_embeds = jnp.take(level_table, level_indices, axis=0)
    type_embeds = jnp.take(type_table, type_indices, axis=0)
    feature_embeds = jnp.take(feature_table, feature_indices, axis=0)
    exchange_embeds = jnp.take(exchange_table, exchange_indices, axis=0)
    pair_embeds = jnp.take(pair_table, pair_indices, axis=0)
    combined = jnp.concatenate([level_embeds, type_embeds, feature_embeds, exchange_embeds, pair_embeds], axis=-1)
    return combined @ W.T + b

if __name__ == "__main__":
    import jax
    _d = setup_inputs()
    print(jax.jit(kernel)(*tuple(_d.values())))

</pallas_src>

<mosaic_0001>
#map = affine_map<(d0, d1) -> (0)>
#map1 = affine_map<(d0, d1) -> (0, 0)>
module attributes {stable_mosaic.version = 14 : i64} {
  func.func @_sc_body(%arg0: i32, %arg1: i32, %arg2: memref<65536xi32, #tpu.memory_space<hbm>>, %arg3: memref<65536xi32, #tpu.memory_space<hbm>>, %arg4: memref<65536xi32, #tpu.memory_space<hbm>>, %arg5: memref<400x128xf32, #tpu.memory_space<hbm>>, %arg6: memref<512x128xf32, #tpu.memory_space<hbm>>, %arg7: memref<4096x128xf32, #tpu.memory_space<hbm>>, %arg8: memref<65536x128xf32, #tpu.memory_space<hbm>>, %arg9: memref<2048xi32, #tpu.memory_space<vmem>>, %arg10: memref<2048xi32, #tpu.memory_space<vmem>>, %arg11: memref<2048xi32, #tpu.memory_space<vmem>>, %arg12: memref<64x128xf32, #tpu.memory_space<vmem>>, %arg13: memref<64x128xf32, #tpu.memory_space<vmem>>, %arg14: memref<64x128xf32, #tpu.memory_space<vmem>>, %arg15: memref<64x128xf32, #tpu.memory_space<vmem>>, %arg16: memref<64x128xf32, #tpu.memory_space<vmem>>, %arg17: memref<64x128xf32, #tpu.memory_space<vmem>>, %arg18: memref<64x128xf32, #tpu.memory_space<vmem>>, %arg19: memref<64x128xf32, #tpu.memory_space<vmem>>, %arg20: memref<64x128xf32, #tpu.memory_space<vmem>>, %arg21: memref<64x128xf32, #tpu.memory_space<vmem>>, %arg22: memref<64x128xf32, #tpu.memory_space<vmem>>, %arg23: memref<64x128xf32, #tpu.memory_space<vmem>>, %arg24: memref<400x128xf32, #tpu.memory_space<vmem_shared>>, %arg25: memref<512x128xf32, #tpu.memory_space<vmem_shared>>, %arg26: memref<!tpu.dma_semaphore, #tpu.memory_space<semaphore_mem>>, %arg27: memref<!tpu.dma_semaphore, #tpu.memory_space<semaphore_mem>>, %arg28: memref<!tpu.dma_semaphore, #tpu.memory_space<semaphore_mem>>, %arg29: memref<!tpu.dma_semaphore, #tpu.memory_space<semaphore_mem>>, %arg30: memref<!tpu.dma_semaphore, #tpu.memory_space<semaphore_mem>>, %arg31: memref<!tpu.dma_semaphore, #tpu.memory_space<semaphore_mem>>, %arg32: memref<!tpu.dma_semaphore, #tpu.memory_space<semaphore_mem>>, %arg33: memref<!tpu.dma_semaphore, #tpu.memory_space<semaphore_mem>>, %arg34: memref<!tpu.dma_semaphore, #tpu.memory_space<semaphore_mem>>, %arg35: memref<!tpu.dma_semaphore, #tpu.memory_space<semaphore_mem>>, %arg36: memref<!tpu.dma_semaphore, #tpu.memory_space<semaphore_mem>>, %arg37: memref<!tpu.dma_semaphore, #tpu.memory_space<semaphore_mem>>, %arg38: memref<!tpu.dma_semaphore, #tpu.memory_space<semaphore_mem>>, %arg39: memref<!tpu.dma_semaphore, #tpu.memory_space<semaphore_mem>>, %arg40: memref<!tpu.dma_semaphore, #tpu.memory_space<semaphore_mem>>, %arg41: memref<!tpu.dma_semaphore, #tpu.memory_space<semaphore_mem>>) attributes {dimension_semantics = [#tpu.dimension_semantics<core_parallel>, #tpu.dimension_semantics<subcore_parallel>], iteration_bounds = array<i64: 2, 16>, scalar_prefetch = 0 : i64, scratch_operands = 33 : i64, tpu.core_type = #tpu.core_type<sc_vector_subcore>, window_params = [{transform_indices = #map}, {transform_indices = #map}, {transform_indices = #map}, {transform_indices = #map1}, {transform_indices = #map1}, {transform_indices = #map1}, {transform_indices = #map1}]} {
    %mul3A = arith.constant 2 : i32
    %mul3A_0 = arith.muli %arg1, %mul3A : i32
    %add3A = arith.addi %mul3A_0, %arg0 : i32
    %mul3A_1 = arith.constant 2048 : i32
    %mul3A_2 = arith.muli %add3A, %mul3A_1 : i32
    %eq3A = arith.constant 0 : i32
    %eq3A_3 = arith.cmpi eq, %arg1, %eq3A : i32
    %convert_element_type3A = arith.extui %eq3A_3 : i1 to i32
    %cond3A = arith.constant 0 : i32
    %cond3A_4 = arith.cmpi ne, %convert_element_type3A, %cond3A : i32
    scf.if %cond3A_4 {
      "tpu.region"() ({
        %run_scoped3A = tpu.sem_alloc : memref<!tpu.dma_semaphore, #tpu.memory_space<semaphore_mem>>
        tpu.enqueue_dma source(%arg5 : memref<400x128xf32, #tpu.memory_space<hbm>>) target(%arg24 : memref<400x128xf32, #tpu.memory_space<vmem_shared>>) target_semaphore(%run_scoped3A : memref<!tpu.dma_semaphore, #tpu.memory_space<semaphore_mem>>)
        tpu.wait_dma2 semaphore(%run_scoped3A : memref<!tpu.dma_semaphore, #tpu.memory_space<semaphore_mem>>) src(%arg5 : memref<400x128xf32, #tpu.memory_space<hbm>>) dst(%arg24 : memref<400x128xf32, #tpu.memory_space<vmem_shared>>)
        tpu.yield
      }) : () -> ()
      "tpu.region"() ({
        %run_scoped3A = tpu.sem_alloc : memref<!tpu.dma_semaphore, #tpu.memory_space<semaphore_mem>>
        tpu.enqueue_dma source(%arg6 : memref<512x128xf32, #tpu.memory_space<hbm>>) target(%arg25 : memref<512x128xf32, #tpu.memory_space<vmem_shared>>) target_semaphore(%run_scoped3A : memref<!tpu.dma_semaphore, #tpu.memory_space<semaphore_mem>>)
        tpu.wait_dma2 semaphore(%run_scoped3A : memref<!tpu.dma_semaphore, #tpu.memory_space<semaphore_mem>>) src(%arg6 : memref<512x128xf32, #tpu.memory_space<hbm>>) dst(%arg25 : memref<512x128xf32, #tpu.memory_space<vmem_shared>>)
        tpu.yield
      }) : () -> ()
    } else {
    }
    "tpu.region"() ({
      %run_scoped3A = tpu.sem_alloc : memref<!tpu.dma_semaphore, #tpu.memory_space<semaphore_mem>>
      %dma_start3A_49 = tpu.memref_slice %arg2[%mul3A_2] : memref<65536xi32, #tpu.memory_space<hbm>> -> memref<2048xi32, #tpu.memory_space<hbm>>
      %dma_start3A_50 = tpu.memref_slice %arg2[%mul3A_2] : memref<65536xi32, #tpu.memory_space<hbm>> -> memref<2048xi32, #tpu.memory_space<hbm>>
      tpu.enqueue_dma source(%dma_start3A_50 : memref<2048xi32, #tpu.memory_space<hbm>>) target(%arg9 : memref<2048xi32, #tpu.memory_space<vmem>>) target_semaphore(%run_scoped3A : memref<!tpu.dma_semaphore, #tpu.memory_space<semaphore_mem>>)
      %dma_wait3A_51 = tpu.memref_slice %arg2[%mul3A_2] : memref<65536xi32, #tpu.memory_space<hbm>> -> memref<2048xi32, #tpu.memory_space<hbm>>
      %dma_wait3A_52 = tpu.memref_slice %arg2[%mul3A_2] : memref<65536xi32, #tpu.memory_space<hbm>> -> memref<2048xi32, #tpu.memory_space<hbm>>
      tpu.wait_dma2 semaphore(%run_scoped3A : memref<!tpu.dma_semaphore, #tpu.memory_space<semaphore_mem>>) src(%dma_wait3A_52 : memref<2048xi32, #tpu.memory_space<hbm>>) dst(%arg9 : memref<2048xi32, #tpu.memory_space<vmem>>)
      tpu.yield
    }) : () -> ()
    "tpu.region"() ({
      %run_scoped3A = tpu.sem_alloc : memref<!tpu.dma_semaphore, #tpu.memory_space<semaphore_mem>>
      %dma_start3A_49 = tpu.memref_slice %arg3[%mul3A_2] : memref<65536xi32, #tpu.memory_space<hbm>> -> memref<2048xi32, #tpu.memory_space<hbm>>
      %dma_start3A_50 = tpu.memref_slice %arg3[%mul3A_2] : memref<65536xi32, #tpu.memory_space<hbm>> -> memref<2048xi32, #tpu.memory_space<hbm>>
      tpu.enqueue_dma source(%dma_start3A_50 : memref<2048xi32, #tpu.memory_space<hbm>>) target(%arg10 : memref<2048xi32, #tpu.memory_space<vmem>>) target_semaphore(%run_scoped3A : memref<!tpu.dma_semaphore, #tpu.memory_space<semaphore_mem>>)
      %dma_wait3A_51 = tpu.memref_slice %arg3[%mul3A_2] : memref<65536xi32, #tpu.memory_space<hbm>> -> memref<2048xi32, #tpu.memory_space<hbm>>
      %dma_wait3A_52 = tpu.memref_slice %arg3[%mul3A_2] : memref<65536xi32, #tpu.memory_space<hbm>> -> memref<2048xi32, #tpu.memory_space<hbm>>
      tpu.wait_dma2 semaphore(%run_scoped3A : memref<!tpu.dma_semaphore, #tpu.memory_space<semaphore_mem>>) src(%dma_wait3A_52 : memref<2048xi32, #tpu.memory_space<hbm>>) dst(%arg10 : memref<2048xi32, #tpu.memory_space<vmem>>)
      tpu.yield
    }) : () -> ()
    "tpu.region"() ({
      %run_scoped3A = tpu.sem_alloc : memref<!tpu.dma_semaphore, #tpu.memory_space<semaphore_mem>>
      %dma_start3A_49 = tpu.memref_slice %arg4[%mul3A_2] : memref<65536xi32, #tpu.memory_space<hbm>> -> memref<2048xi32, #tpu.memory_space<hbm>>
      %dma_start3A_50 = tpu.memref_slice %arg4[%mul3A_2] : memref<65536xi32, #tpu.memory_space<hbm>> -> memref<2048xi32, #tpu.memory_space<hbm>>
      tpu.enqueue_dma source(%dma_start3A_50 : memref<2048xi32, #tpu.memory_space<hbm>>) target(%arg11 : memref<2048xi32, #tpu.memory_space<vmem>>) target_semaphore(%run_scoped3A : memref<!tpu.dma_semaphore, #tpu.memory_space<semaphore_mem>>)
      %dma_wait3A_51 = tpu.memref_slice %arg4[%mul3A_2] : memref<65536xi32, #tpu.memory_space<hbm>> -> memref<2048xi32, #tpu.memory_space<hbm>>
      %dma_wait3A_52 = tpu.memref_slice %arg4[%mul3A_2] : memref<65536xi32, #tpu.memory_space<hbm>> -> memref<2048xi32, #tpu.memory_space<hbm>>
      tpu.wait_dma2 semaphore(%run_scoped3A : memref<!tpu.dma_semaphore, #tpu.memory_space<semaphore_mem>>) src(%dma_wait3A_52 : memref<2048xi32, #tpu.memory_space<hbm>>) dst(%arg11 : memref<2048xi32, #tpu.memory_space<vmem>>)
      tpu.yield
    }) : () -> ()
    %barrier3A = arith.constant 0 : index
    tpu.barrier barrier_id(%barrier3A)
    %multiple_of3A = arith.constant 0 : i32
    %multiple_of3A_5 = tpu.assume_multiple %multiple_of3A, 64 : i32
    %dma_start3A = tpu.memref_slice %arg9[%multiple_of3A_5] : memref<2048xi32, #tpu.memory_space<vmem>> -> memref<64xi32, #tpu.memory_space<vmem>>
    %dma_start3A_6 = arith.constant 0 : i32
    %dma_start3A_7 = arith.constant 0 : i32
    %dma_start3A_8 = tpu.memref_slice %arg24[%dma_start3A_6, %dma_start3A_7] : memref<400x128xf32, #tpu.memory_space<vmem_shared>> -> memref<400x128xf32, #tpu.memory_space<vmem_shared>>
    tpu.enqueue_indirect_dma source(%dma_start3A_8 : memref<400x128xf32, #tpu.memory_space<vmem_shared>>) target(%arg12 : memref<64x128xf32, #tpu.memory_space<vmem>>) offsets(%dma_start3A : memref<64xi32, #tpu.memory_space<vmem>>) semaphore(%arg26 : memref<!tpu.dma_semaphore, #tpu.memory_space<semaphore_mem>>)
    %dma_start3A_9 = tpu.memref_slice %arg10[%multiple_of3A_5] : memref<2048xi32, #tpu.memory_space<vmem>> -> memref<64xi32, #tpu.memory_space<vmem>>
    %dma_start3A_10 = arith.constant 0 : i32
    %dma_start3A_11 = arith.constant 0 : i32
    %dma_start3A_12 = tpu.memref_slice %arg25[%dma_start3A_10, %dma_start3A_11] : memref<512x128xf32, #tpu.memory_space<vmem_shared>> -> memref<512x128xf32, #tpu.memory_space<vmem_shared>>
    tpu.enqueue_indirect_dma source(%dma_start3A_12 : memref<512x128xf32, #tpu.memory_space<vmem_shared>>) target(%arg13 : memref<64x128xf32, #tpu.memory_space<vmem>>) offsets(%dma_start3A_9 : memref<64xi32, #tpu.memory_space<vmem>>) semaphore(%arg27 : memref<!tpu.dma_semaphore, #tpu.memory_space<semaphore_mem>>)
    %dma_start3A_13 = tpu.memref_slice %arg11[%multiple_of3A_5] : memref<2048xi32, #tpu.memory_space<vmem>> -> memref<64xi32, #tpu.memory_space<vmem>>
    %dma_start3A_14 = arith.constant 0 : i32
    %dma_start3A_15 = arith.constant 0 : i32
    %dma_start3A_16 = tpu.memref_slice %arg7[%dma_start3A_14, %dma_start3A_15] : memref<4096x128xf32, #tpu.memory_space<hbm>> -> memref<4096x128xf32, #tpu.memory_space<hbm>>
    tpu.enqueue_indirect_dma source(%dma_start3A_16 : memref<4096x128xf32, #tpu.memory_space<hbm>>) target(%arg14 : memref<64x128xf32, #tpu.memory_space<vmem>>) offsets(%dma_start3A_13 : memref<64xi32, #tpu.memory_space<vmem>>) semaphore(%arg28 : memref<!tpu.dma_semaphore, #tpu.memory_space<semaphore_mem>>)
    %multiple_of3A_17 = arith.constant 64 : i32
    %multiple_of3A_18 = tpu.assume_multiple %multiple_of3A_17, 64 : i32
    %dma_start3A_19 = tpu.memref_slice %arg9[%multiple_of3A_18] : memref<2048xi32, #tpu.memory_space<vmem>> -> memref<64xi32, #tpu.memory_space<vmem>>
    %dma_start3A_20 = arith.constant 0 : i32
    %dma_start3A_21 = arith.constant 0 : i32
    %dma_start3A_22 = tpu.memref_slice %arg24[%dma_start3A_20, %dma_start3A_21] : memref<400x128xf32, #tpu.memory_space<vmem_shared>> -> memref<400x128xf32, #tpu.memory_space<vmem_shared>>
    tpu.enqueue_indirect_dma source(%dma_start3A_22 : memref<400x128xf32, #tpu.memory_space<vmem_shared>>) target(%arg15 : memref<64x128xf32, #tpu.memory_space<vmem>>) offsets(%dma_start3A_19 : memref<64xi32, #tpu.memory_space<vmem>>) semaphore(%arg29 : memref<!tpu.dma_semaphore, #tpu.memory_space<semaphore_mem>>)
    %dma_start3A_23 = tpu.memref_slice %arg10[%multiple_of3A_18] : memref<2048xi32, #tpu.memory_space<vmem>> -> memref<64xi32, #tpu.memory_space<vmem>>
    %dma_start3A_24 = arith.constant 0 : i32
    %dma_start3A_25 = arith.constant 0 : i32
    %dma_start3A_26 = tpu.memref_slice %arg25[%dma_start3A_24, %dma_start3A_25] : memref<512x128xf32, #tpu.memory_space<vmem_shared>> -> memref<512x128xf32, #tpu.memory_space<vmem_shared>>
    tpu.enqueue_indirect_dma source(%dma_start3A_26 : memref<512x128xf32, #tpu.memory_space<vmem_shared>>) target(%arg16 : memref<64x128xf32, #tpu.memory_space<vmem>>) offsets(%dma_start3A_23 : memref<64xi32, #tpu.memory_space<vmem>>) semaphore(%arg30 : memref<!tpu.dma_semaphore, #tpu.memory_space<semaphore_mem>>)
    %dma_start3A_27 = tpu.memref_slice %arg11[%multiple_of3A_18] : memref<2048xi32, #tpu.memory_space<vmem>> -> memref<64xi32, #tpu.memory_space<vmem>>
    %dma_start3A_28 = arith.constant 0 : i32
    %dma_start3A_29 = arith.constant 0 : i32
    %dma_start3A_30 = tpu.memref_slice %arg7[%dma_start3A_28, %dma_start3A_29] : memref<4096x128xf32, #tpu.memory_space<hbm>> -> memref<4096x128xf32, #tpu.memory_space<hbm>>
    tpu.enqueue_indirect_dma source(%dma_start3A_30 : memref<4096x128xf32, #tpu.memory_space<hbm>>) target(%arg17 : memref<64x128xf32, #tpu.memory_space<vmem>>) offsets(%dma_start3A_27 : memref<64xi32, #tpu.memory_space<vmem>>) semaphore(%arg31 : memref<!tpu.dma_semaphore, #tpu.memory_space<semaphore_mem>>)
    %scan3A = arith.constant 0 : i32
    %scan3A_31 = arith.constant 0 : i32
    %scan3A_32 = arith.constant 8 : i32
    %scan3A_33 = arith.addi %scan3A_31, %scan3A_32 : i32
    %scan3A_34 = arith.constant 1 : i32
    scf.for %scan3A_49 = %scan3A_31 to %scan3A_33 step %scan3A_34  : i32 {
      %mul3A_50 = arith.constant 4 : i32
      %mul3A_51 = arith.muli %mul3A_50, %scan3A_49 : i32
      %add3A_52 = arith.constant 0 : i32
      %add3A_53 = arith.addi %mul3A_51, %add3A_52 : i32
      %mul3A_54 = arith.constant 64 : i32
      %mul3A_55 = arith.muli %add3A_53, %mul3A_54 : i32
      %multiple_of3A_56 = tpu.assume_multiple %mul3A_55, 64 : i32
      %dma_wait3A_57 = tpu.memref_slice %arg9[%multiple_of3A_56] : memref<2048xi32, #tpu.memory_space<vmem>> -> memref<64xi32, #tpu.memory_space<vmem>>
      %dma_wait3A_58 = arith.constant 0 : i32
      %dma_wait3A_59 = arith.constant 0 : i32
      %dma_wait3A_60 = tpu.memref_slice %arg24[%dma_wait3A_58, %dma_wait3A_59] : memref<400x128xf32, #tpu.memory_space<vmem_shared>> -> memref<400x128xf32, #tpu.memory_space<vmem_shared>>
      tpu.wait_indirect_dma semaphore(%arg26 : memref<!tpu.dma_semaphore, #tpu.memory_space<semaphore_mem>>) src(%dma_wait3A_60 : memref<400x128xf32, #tpu.memory_space<vmem_shared>>) dst(%arg12 : memref<64x128xf32, #tpu.memory_space<vmem>>)
      %dma_wait3A_61 = tpu.memref_slice %arg10[%multiple_of3A_56] : memref<2048xi32, #tpu.memory_space<vmem>> -> memref<64xi32, #tpu.memory_space<vmem>>
      %dma_wait3A_62 = arith.constant 0 : i32
      %dma_wait3A_63 = arith.constant 0 : i32
      %dma_wait3A_64 = tpu.memref_slice %arg25[%dma_wait3A_62, %dma_wait3A_63] : memref<512x128xf32, #tpu.memory_space<vmem_shared>> -> memref<512x128xf32, #tpu.memory_space<vmem_shared>>
      tpu.wait_indirect_dma semaphore(%arg27 : memref<!tpu.dma_semaphore, #tpu.memory_space<semaphore_mem>>) src(%dma_wait3A_64 : memref<512x128xf32, #tpu.memory_space<vmem_shared>>) dst(%arg13 : memref<64x128xf32, #tpu.memory_space<vmem>>)
      %dma_wait3A_65 = tpu.memref_slice %arg11[%multiple_of3A_56] : memref<2048xi32, #tpu.memory_space<vmem>> -> memref<64xi32, #tpu.memory_space<vmem>>
      %dma_wait3A_66 = arith.constant 0 : i32
      %dma_wait3A_67 = arith.constant 0 : i32
      %dma_wait3A_68 = tpu.memref_slice %arg7[%dma_wait3A_66, %dma_wait3A_67] : memref<4096x128xf32, #tpu.memory_space<hbm>> -> memref<4096x128xf32, #tpu.memory_space<hbm>>
      tpu.wait_indirect_dma semaphore(%arg28 : memref<!tpu.dma_semaphore, #tpu.memory_space<semaphore_mem>>) src(%dma_wait3A_68 : memref<4096x128xf32, #tpu.memory_space<hbm>>) dst(%arg14 : memref<64x128xf32, #tpu.memory_space<vmem>>)
      %parallel_loop3A = arith.constant 0 : i32
      %parallel_loop3A_69 = arith.constant 64 : i32
      %parallel_loop3A_70 = arith.constant 1 : i32
      scf.for %parallel_loop3A_207 = %parallel_loop3A to %parallel_loop3A_69 step %parallel_loop3A_70  : i32 {
        %parallel_loop3A_208 = arith.index_cast %parallel_loop3A_207 : i32 to index
        %parallel_loop3A_209 = arith.constant 0 : index
        %parallel_loop3A_210 = tpu.vector_load %arg13[%parallel_loop3A_208, %parallel_loop3A_209] {strides = array<i32>} : memref<64x128xf32, #tpu.memory_space<vmem>>, vector<1x16xf32>,
        %parallel_loop3A_211 = vector.shape_cast %parallel_loop3A_210 : vector<1x16xf32> to vector<16xf32>
        %parallel_loop3A_212 = arith.index_cast %parallel_loop3A_207 : i32 to index
        %parallel_loop3A_213 = arith.constant 0 : index
        %parallel_loop3A_214 = tpu.vector_load %arg14[%parallel_loop3A_212, %parallel_loop3A_213] {strides = array<i32>} : memref<64x128xf32, #tpu.memory_space<vmem>>, vector<1x16xf32>,
        %parallel_loop3A_215 = vector.shape_cast %parallel_loop3A_214 : vector<1x16xf32> to vector<16xf32>
        %parallel_loop3A_216 = arith.addf %parallel_loop3A_211, %parallel_loop3A_215 : vector<16xf32>
        %parallel_loop3A_217 = arith.index_cast %parallel_loop3A_207 : i32 to index
        %parallel_loop3A_218 = arith.constant 0 : index
        %parallel_loop3A_219 = tpu.vector_load %arg12[%parallel_loop3A_217, %parallel_loop3A_218] {strides = array<i32>} : memref<64x128xf32, #tpu.memory_space<vmem>>, vector<1x16xf32>,
        %parallel_loop3A_220 = vector.shape_cast %parallel_loop3A_219 : vector<1x16xf32> to vector<16xf32>
        %parallel_loop3A_221 = vector.shape_cast %parallel_loop3A_216 : vector<16xf32> to vector<1x16xf32>
        tpu.vector_store %arg12[%parallel_loop3A_217, %parallel_loop3A_218], %parallel_loop3A_221 {add = true, strides = array<i32>} : memref<64x128xf32, #tpu.memory_space<vmem>>, vector<1x16xf32>,
        %parallel_loop3A_222 = arith.index_cast %parallel_loop3A_207 : i32 to index
        %parallel_loop3A_223 = arith.constant 16 : index
        %parallel_loop3A_224 = tpu.vector_load %arg13[%parallel_loop3A_222, %parallel_loop3A_223] {strides = array<i32>} : memref<64x128xf32, #tpu.memory_space<vmem>>, vector<1x16xf32>,
        %parallel_loop3A_225 = vector.shape_cast %parallel_loop3A_224 : vector<1x16xf32> to vector<16xf32>
        %parallel_loop3A_226 = arith.index_cast %parallel_loop3A_207 : i32 to index
        %parallel_loop3A_227 = arith.constant 16 : index
        %parallel_loop3A_228 = tpu.vector_load %arg14[%parallel_loop3A_226, %parallel_loop3A_227] {strides = array<i32>} : memref<64x128xf32, #tpu.memory_space<vmem>>, vector<1x16xf32>,
        %parallel_loop3A_229 = vector.shape_cast %parallel_loop3A_228 : vector<1x16xf32> to vector<16xf32>
        %parallel_loop3A_230 = arith.addf %parallel_loop3A_225, %parallel_loop3A_229 : vector<16xf32>
        %parallel_loop3A_231 = arith.index_cast %parallel_loop3A_207 : i32 to index
        %parallel_loop3A_232 = arith.constant 16 : index
        %parallel_loop3A_233 = tpu.vector_load %arg12[%parallel_loop3A_231, %parallel_loop3A_232] {strides = array<i32>} : memref<64x128xf32, #tpu.memory_space<vmem>>, vector<1x16xf32>,
        %parallel_loop3A_234 = vector.shape_cast %parallel_loop3A_233 : vector<1x16xf32> to vector<16xf32>
        %parallel_loop3A_235 = vector.shape_cast %parallel_loop3A_230 : vector<16xf32> to vector<1x16xf32>
        tpu.vector_store %arg12[%parallel_loop3A_231, %parallel_loop3A_232], %parallel_loop3A_235 {add = true, strides = array<i32>} : memref<64x128xf32, #tpu.memory_space<vmem>>, vector<1x16xf32>,
        %parallel_loop3A_236 = arith.index_cast %parallel_loop3A_207 : i32 to index
        %parallel_loop3A_237 = arith.constant 32 : index
        %parallel_loop3A_238 = tpu.vector_load %arg13[%parallel_loop3A_236, %parallel_loop3A_237] {strides = array<i32>} : memref<64x128xf32, #tpu.memory_space<vmem>>, vector<1x16xf32>,
        %parallel_loop3A_239 = vector.shape_cast %parallel_loop3A_238 : vector<1x16xf32> to vector<16xf32>
        %parallel_loop3A_240 = arith.index_cast %parallel_loop3A_207 : i32 to index
        %parallel_loop3A_241 = arith.constant 32 : index
        %parallel_loop3A_242 = tpu.vector_load %arg14[%parallel_loop3A_240, %parallel_loop3A_241] {strides = array<i32>} : memref<64x128xf32, #tpu.memory_space<vmem>>, vector<1x16xf32>,
        %parallel_loop3A_243 = vector.shape_cast %parallel_loop3A_242 : vector<1x16xf32> to vector<16xf32>
        %parallel_loop3A_244 = arith.addf %parallel_loop3A_239, %parallel_loop3A_243 : vector<16xf32>
        %parallel_loop3A_245 = arith.index_cast %parallel_loop3A_207 : i32 to index
        %parallel_loop3A_246 = arith.constant 32 : index
        %parallel_loop3A_247 = tpu.vector_load %arg12[%parallel_loop3A_245, %parallel_loop3A_246] {strides = array<i32>} : memref<64x128xf32, #tpu.memory_space<vmem>>, vector<1x16xf32>,
        %parallel_loop3A_248 = vector.shape_cast %parallel_loop3A_247 : vector<1x16xf32> to vector<16xf32>
        %parallel_loop3A_249 = vector.shape_cast %parallel_loop3A_244 : vector<16xf32> to vector<1x16xf32>
        tpu.vector_store %arg12[%parallel_loop3A_245, %parallel_loop3A_246], %parallel_loop3A_249 {add = true, strides = array<i32>} : memref<64x128xf32, #tpu.memory_space<vmem>>, vector<1x16xf32>,
        %parallel_loop3A_250 = arith.index_cast %parallel_loop3A_207 : i32 to index
        %parallel_loop3A_251 = arith.constant 48 : index
        %parallel_loop3A_252 = tpu.vector_load %arg13[%parallel_loop3A_250, %parallel_loop3A_251] {strides = array<i32>} : memref<64x128xf32, #tpu.memory_space<vmem>>, vector<1x16xf32>,
        %parallel_loop3A_253 = vector.shape_cast %parallel_loop3A_252 : vector<1x16xf32> to vector<16xf32>
        %parallel_loop3A_254 = arith.index_cast %parallel_loop3A_207 : i32 to index
        %parallel_loop3A_255 = arith.constant 48 : index
        %parallel_loop3A_256 = tpu.vector_load %arg14[%parallel_loop3A_254, %parallel_loop3A_255] {strides = array<i32>} : memref<64x128xf32, #tpu.memory_space<vmem>>, vector<1x16xf32>,
        %parallel_loop3A_257 = vector.shape_cast %parallel_loop3A_256 : vector<1x16xf32> to vector<16xf32>
        %parallel_loop3A_258 = arith.addf %parallel_loop3A_253, %parallel_loop3A_257 : vector<16xf32>
        %parallel_loop3A_259 = arith.index_cast %parallel_loop3A_207 : i32 to index
        %parallel_loop3A_260 = arith.constant 48 : index
        %parallel_loop3A_261 = tpu.vector_load %arg12[%parallel_loop3A_259, %parallel_loop3A_260] {strides = array<i32>} : memref<64x128xf32, #tpu.memory_space<vmem>>, vector<1x16xf32>,
        %parallel_loop3A_262 = vector.shape_cast %parallel_loop3A_261 : vector<1x16xf32> to vector<16xf32>
        %parallel_loop3A_263 = vector.shape_cast %parallel_loop3A_258 : vector<16xf32> to vector<1x16xf32>
        tpu.vector_store %arg12[%parallel_loop3A_259, %parallel_loop3A_260], %parallel_loop3A_263 {add = true, strides = array<i32>} : memref<64x128xf32, #tpu.memory_space<vmem>>, vector<1x16xf32>,
        %parallel_loop3A_264 = arith.index_cast %parallel_loop3A_207 : i32 to index
        %parallel_loop3A_265 = arith.constant 64 : index
        %parallel_loop3A_266 = tpu.vector_load %arg13[%parallel_loop3A_264, %parallel_loop3A_265] {strides = array<i32>} : memref<64x128xf32, #tpu.memory_space<vmem>>, vector<1x16xf32>,
        %parallel_loop3A_267 = vector.shape_cast %parallel_loop3A_266 : vector<1x16xf32> to vector<16xf32>
        %parallel_loop3A_268 = arith.index_cast %parallel_loop3A_207 : i32 to index
        %parallel_loop3A_269 = arith.constant 64 : index
        %parallel_loop3A_270 = tpu.vector_load %arg14[%parallel_loop3A_268, %parallel_loop3A_269] {strides = array<i32>} : memref<64x128xf32, #tpu.memory_space<vmem>>, vector<1x16xf32>,
        %parallel_loop3A_271 = vector.shape_cast %parallel_loop3A_270 : vector<1x16xf32> to vector<16xf32>
        %parallel_loop3A_272 = arith.addf %parallel_loop3A_267, %parallel_loop3A_271 : vector<16xf32>
        %parallel_loop3A_273 = arith.index_cast %parallel_loop3A_207 : i32 to index
        %parallel_loop3A_274 = arith.constant 64 : index
        %parallel_loop3A_275 = tpu.vector_load %arg12[%parallel_loop3A_273, %parallel_loop3A_274] {strides = array<i32>} : memref<64x128xf32, #tpu.memory_space<vmem>>, vector<1x16xf32>,
        %parallel_loop3A_276 = vector.shape_cast %parallel_loop3A_275 : vector<1x16xf32> to vector<16xf32>
        %parallel_loop3A_277 = vector.shape_cast %parallel_loop3A_272 : vector<16xf32> to vector<1x16xf32>
        tpu.vector_store %arg12[%parallel_loop3A_273, %parallel_loop3A_274], %parallel_loop3A_277 {add = true, strides = array<i32>} : memref<64x128xf32, #tpu.memory_space<vmem>>, vector<1x16xf32>,
        %parallel_loop3A_278 = arith.index_cast %parallel_loop3A_207 : i32 to index
        %parallel_loop3A_279 = arith.constant 80 : index
        %parallel_loop3A_280 = tpu.vector_load %arg13[%parallel_loop3A_278, %parallel_loop3A_279] {strides = array<i32>} : memref<64x128xf32, #tpu.memory_space<vmem>>, vector<1x16xf32>,
        %parallel_loop3A_281 = vector.shape_cast %parallel_loop3A_280 : vector<1x16xf32> to vector<16xf32>
        %parallel_loop3A_282 = arith.index_cast %parallel_loop3A_207 : i32 to index
        %parallel_loop3A_283 = arith.constant 80 : index
        %parallel_loop3A_284 = tpu.vector_load %arg14[%parallel_loop3A_282, %parallel_loop3A_283] {strides = array<i32>} : memref<64x128xf32, #tpu.memory_space<vmem>>, vector<1x16xf32>,
        %parallel_loop3A_285 = vector.shape_cast %parallel_loop3A_284 : vector<1x16xf32> to vector<16xf32>
        %parallel_loop3A_286 = arith.addf %parallel_loop3A_281, %parallel_loop3A_285 : vector<16xf32>
        %parallel_loop3A_287 = arith.index_cast %parallel_loop3A_207 : i32 to index
        %parallel_loop3A_288 = arith.constant 80 : index
        %parallel_loop3A_289 = tpu.vector_load %arg12[%parallel_loop3A_287, %parallel_loop3A_288] {strides = array<i32>} : memref<64x128xf32, #tpu.memory_space<vmem>>, vector<1x16xf32>,
        %parallel_loop3A_290 = vector.shape_cast %parallel_loop3A_289 : vector<1x16xf32> to vector<16xf32>
        %parallel_loop3A_291 = vector.shape_cast %parallel_loop3A_286 : vector<16xf32> to vector<1x16xf32>
        tpu.vector_store %arg12[%parallel_loop3A_287, %parallel_loop3A_288], %parallel_loop3A_291 {add = true, strides = array<i32>} : memref<64x128xf32, #tpu.memory_space<vmem>>, vector<1x16xf32>,
        %parallel_loop3A_292 = arith.index_cast %parallel_loop3A_207 : i32 to index
        %parallel_loop3A_293 = arith.constant 96 : index
        %parallel_loop3A_294 = tpu.vector_load %arg13[%parallel_loop3A_292, %parallel_loop3A_293] {strides = array<i32>} : memref<64x128xf32, #tpu.memory_space<vmem>>, vector<1x16xf32>,
        %parallel_loop3A_295 = vector.shape_cast %parallel_loop3A_294 : vector<1x16xf32> to vector<16xf32>
        %parallel_loop3A_296 = arith.index_cast %parallel_loop3A_207 : i32 to index
        %parallel_loop3A_297 = arith.constant 96 : index
        %parallel_loop3A_298 = tpu.vector_load %arg14[%parallel_loop3A_296, %parallel_loop3A_297] {strides = array<i32>} : memref<64x128xf32, #tpu.memory_space<vmem>>, vector<1x16xf32>,
        %parallel_loop3A_299 = vector.shape_cast %parallel_loop3A_298 : vector<1x16xf32> to vector<16xf32>
        %parallel_loop3A_300 = arith.addf %parallel_loop3A_295, %parallel_loop3A_299 : vector<16xf32>
        %parallel_loop3A_301 = arith.index_cast %parallel_loop3A_207 : i32 to index
        %parallel_loop3A_302 = arith.constant 96 : index
        %parallel_loop3A_303 = tpu.vector_load %arg12[%parallel_loop3A_301, %parallel_loop3A_302] {strides = array<i32>} : memref<64x128xf32, #tpu.memory_space<vmem>>, vector<1x16xf32>,
        %parallel_loop3A_304 = vector.shape_cast %parallel_loop3A_303 : vector<1x16xf32> to vector<16xf32>
        %parallel_loop3A_305 = vector.shape_cast %parallel_loop3A_300 : vector<16xf32> to vector<1x16xf32>
        tpu.vector_store %arg12[%parallel_loop3A_301, %parallel_loop3A_302], %parallel_loop3A_305 {add = true, strides = array<i32>} : memref<64x128xf32, #tpu.memory_space<vmem>>, vector<1x16xf32>,
        %parallel_loop3A_306 = arith.index_cast %parallel_loop3A_207 : i32 to index
        %parallel_loop3A_307 = arith.constant 112 : index
        %parallel_loop3A_308 = tpu.vector_load %arg13[%parallel_loop3A_306, %parallel_loop3A_307] {strides = array<i32>} : memref<64x128xf32, #tpu.memory_space<vmem>>, vector<1x16xf32>,
        %parallel_loop3A_309 = vector.shape_cast %parallel_loop3A_308 : vector<1x16xf32> to vector<16xf32>
        %parallel_loop3A_310 = arith.index_cast %parallel_loop3A_207 : i32 to index
        %parallel_loop3A_311 = arith.constant 112 : index
        %parallel_loop3A_312 = tpu.vector_load %arg14[%parallel_loop3A_310, %parallel_loop3A_311] {strides = array<i32>} : memref<64x128xf32, #tpu.memory_space<vmem>>, vector<1x16xf32>,
        %parallel_loop3A_313 = vector.shape_cast %parallel_loop3A_312 : vector<1x16xf32> to vector<16xf32>
        %parallel_loop3A_314 = arith.addf %parallel_loop3A_309, %parallel_loop3A_313 : vector<16xf32>
        %parallel_loop3A_315 = arith.index_cast %parallel_loop3A_207 : i32 to index
        %parallel_loop3A_316 = arith.constant 112 : index
        %parallel_loop3A_317 = tpu.vector_load %arg12[%parallel_loop3A_315, %parallel_loop3A_316] {strides = array<i32>} : memref<64x128xf32, #tpu.memory_space<vmem>>, vector<1x16xf32>,
        %parallel_loop3A_318 = vector.shape_cast %parallel_loop3A_317 : vector<1x16xf32> to vector<16xf32>
        %parallel_loop3A_319 = vector.shape_cast %parallel_loop3A_314 : vector<16xf32> to vector<1x16xf32>
        tpu.vector_store %arg12[%parallel_loop3A_315, %parallel_loop3A_316], %parallel_loop3A_319 {add = true, strides = array<i32>} : memref<64x128xf32, #tpu.memory_space<vmem>>, vector<1x16xf32>,
      } {sc.loop_unroll_factor = 4 : i64, sc.parallel_access}
      %mul3A_71 = arith.constant 64 : i32
      %mul3A_72 = arith.muli %add3A_53, %mul3A_71 : i32
      %multiple_of3A_73 = tpu.assume_multiple %mul3A_72, 64 : i32
      %add3A_74 = arith.addi %mul3A_2, %multiple_of3A_73 : i32
      %dma_start3A_75 = arith.constant 0 : i32
      %dma_start3A_76 = tpu.memref_slice %arg8[%add3A_74, %dma_start3A_75] : memref<65536x128xf32, #tpu.memory_space<hbm>> -> memref<64x128xf32, #tpu.memory_space<hbm>>
      %dma_start3A_77 = arith.constant 0 : i32
      %dma_start3A_78 = tpu.memref_slice %arg8[%add3A_74, %dma_start3A_77] : memref<65536x128xf32, #tpu.memory_space<hbm>> -> memref<64x128xf32, #tpu.memory_space<hbm>>
      tpu.enqueue_dma source(%arg12 : memref<64x128xf32, #tpu.memory_space<vmem>>) target(%dma_start3A_78 : memref<64x128xf32, #tpu.memory_space<hbm>>) target_semaphore(%arg38 : memref<!tpu.dma_semaphore, #tpu.memory_space<semaphore_mem>>)
      %ge3A = arith.constant 2 : i32
      %ge3A_79 = arith.cmpi sge, %add3A_53, %ge3A : i32
      %convert_element_type3A_80 = arith.extui %ge3A_79 : i1 to i32
      %cond3A_81 = arith.constant 0 : i32
      %cond3A_82 = arith.cmpi ne, %convert_element_type3A_80, %cond3A_81 : i32
      scf.if %cond3A_82 {
        %sub3A = arith.constant 2 : i32
        %sub3A_207 = arith.subi %add3A_53, %sub3A : i32
        %mul3A_208 = arith.constant 64 : i32
        %mul3A_209 = arith.muli %sub3A_207, %mul3A_208 : i32
        %multiple_of3A_210 = tpu.assume_multiple %mul3A_209, 64 : i32
        %add3A_211 = arith.addi %mul3A_2, %multiple_of3A_210 : i32
        %dma_wait3A_212 = arith.constant 0 : i32
        %dma_wait3A_213 = tpu.memref_slice %arg8[%add3A_211, %dma_wait3A_212] : memref<65536x128xf32, #tpu.memory_space<hbm>> -> memref<64x128xf32, #tpu.memory_space<hbm>>
        %dma_wait3A_214 = arith.constant 0 : i32
        %dma_wait3A_215 = tpu.memref_slice %arg8[%add3A_211, %dma_wait3A_214] : memref<65536x128xf32, #tpu.memory_space<hbm>> -> memref<64x128xf32, #tpu.memory_space<hbm>>
        tpu.wait_dma2 semaphore(%arg40 : memref<!tpu.dma_semaphore, #tpu.memory_space<semaphore_mem>>) src(%arg18 : memref<64x128xf32, #tpu.memory_space<vmem>>) dst(%dma_wait3A_215 : memref<64x128xf32, #tpu.memory_space<hbm>>)
      } else {
      }
      %le3A = arith.constant 29 : i32
      %le3A_83 = arith.cmpi sle, %add3A_53, %le3A : i32
      %convert_element_type3A_84 = arith.extui %le3A_83 : i1 to i32
      %cond3A_85 = arith.constant 0 : i32
      %cond3A_86 = arith.cmpi ne, %convert_element_type3A_84, %cond3A_85 : i32
      scf.if %cond3A_86 {
        %add3A_207 = arith.constant 2 : i32
        %add3A_208 = arith.addi %add3A_53, %add3A_207 : i32
        %mul3A_209 = arith.constant 64 : i32
        %mul3A_210 = arith.muli %add3A_208, %mul3A_209 : i32
        %multiple_of3A_211 = tpu.assume_multiple %mul3A_210, 64 : i32
        %dma_start3A_212 = tpu.memref_slice %arg9[%multiple_of3A_211] : memref<2048xi32, #tpu.memory_space<vmem>> -> memref<64xi32, #tpu.memory_space<vmem>>
        %dma_start3A_213 = arith.constant 0 : i32
        %dma_start3A_214 = arith.constant 0 : i32
        %dma_start3A_215 = tpu.memref_slice %arg24[%dma_start3A_213, %dma_start3A_214] : memref<400x128xf32, #tpu.memory_space<vmem_shared>> -> memref<400x128xf32, #tpu.memory_space<vmem_shared>>
        tpu.enqueue_indirect_dma source(%dma_start3A_215 : memref<400x128xf32, #tpu.memory_space<vmem_shared>>) target(%arg18 : memref<64x128xf32, #tpu.memory_space<vmem>>) offsets(%dma_start3A_212 : memref<64xi32, #tpu.memory_space<vmem>>) semaphore(%arg32 : memref<!tpu.dma_semaphore, #tpu.memory_space<semaphore_mem>>)
        %dma_start3A_216 = tpu.memref_slice %arg10[%multiple_of3A_211] : memref<2048xi32, #tpu.memory_space<vmem>> -> memref<64xi32, #tpu.memory_space<vmem>>
        %dma_start3A_217 = arith.constant 0 : i32
        %dma_start3A_218 = arith.constant 0 : i32
        %dma_start3A_219 = tpu.memref_slice %arg25[%dma_start3A_217, %dma_start3A_218] : memref<512x128xf32, #tpu.memory_space<vmem_shared>> -> memref<512x128xf32, #tpu.memory_space<vmem_shared>>
        tpu.enqueue_indirect_dma source(%dma_start3A_219 : memref<512x128xf32, #tpu.memory_space<vmem_shared>>) target(%arg19 : memref<64x128xf32, #tpu.memory_space<vmem>>) offsets(%dma_start3A_216 : memref<64xi32, #tpu.memory_space<vmem>>) semaphore(%arg33 : memref<!tpu.dma_semaphore, #tpu.memory_space<semaphore_mem>>)
        %dma_start3A_220 = tpu.memref_slice %arg11[%multiple_of3A_211] : memref<2048xi32, #tpu.memory_space<vmem>> -> memref<64xi32, #tpu.memory_space<vmem>>
        %dma_start3A_221 = arith.constant 0 : i32
        %dma_start3A_222 = arith.constant 0 : i32
        %dma_start3A_223 = tpu.memref_slice %arg7[%dma_start3A_221, %dma_start3A_222] : memref<4096x128xf32, #tpu.memory_space<hbm>> -> memref<4096x128xf32, #tpu.memory_space<hbm>>
        tpu.enqueue_indirect_dma source(%dma_start3A_223 : memref<4096x128xf32, #tpu.memory_space<hbm>>) target(%arg20 : memref<64x128xf32, #tpu.memory_space<vmem>>) offsets(%dma_start3A_220 : memref<64xi32, #tpu.memory_space<vmem>>) semaphore(%arg34 : memref<!tpu.dma_semaphore, #tpu.memory_space<semaphore_mem>>)
      } else {
      }
      %mul3A_87 = arith.constant 4 : i32
      %mul3A_88 = arith.muli %mul3A_87, %scan3A_49 : i32
      %add3A_89 = arith.constant 1 : i32
      %add3A_90 = arith.addi %mul3A_88, %add3A_89 : i32
      %mul3A_91 = arith.constant 64 : i32
      %mul3A_92 = arith.muli %add3A_90, %mul3A_91 : i32
      %multiple_of3A_93 = tpu.assume_multiple %mul3A_92, 64 : i32
      %dma_wait3A_94 = tpu.memref_slice %arg9[%multiple_of3A_93] : memref<2048xi32, #tpu.memory_space<vmem>> -> memref<64xi32, #tpu.memory_space<vmem>>
      %dma_wait3A_95 = arith.constant 0 : i32
      %dma_wait3A_96 = arith.constant 0 : i32
      %dma_wait3A_97 = tpu.memref_slice %arg24[%dma_wait3A_95, %dma_wait3A_96] : memref<400x128xf32, #tpu.memory_space<vmem_shared>> -> memref<400x128xf32, #tpu.memory_space<vmem_shared>>
      tpu.wait_indirect_dma semaphore(%arg29 : memref<!tpu.dma_semaphore, #tpu.memory_space<semaphore_mem>>) src(%dma_wait3A_97 : memref<400x128xf32, #tpu.memory_space<vmem_shared>>) dst(%arg15 : memref<64x128xf32, #tpu.memory_space<vmem>>)
      %dma_wait3A_98 = tpu.memref_slice %arg10[%multiple_of3A_93] : memref<2048xi32, #tpu.memory_space<vmem>> -> memref<64xi32, #tpu.memory_space<vmem>>
      %dma_wait3A_99 = arith.constant 0 : i32
      %dma_wait3A_100 = arith.constant 0 : i32
      %dma_wait3A_101 = tpu.memref_slice %arg25[%dma_wait3A_99, %dma_wait3A_100] : memref<512x128xf32, #tpu.memory_space<vmem_shared>> -> memref<512x128xf32, #tpu.memory_space<vmem_shared>>
      tpu.wait_indirect_dma semaphore(%arg30 : memref<!tpu.dma_semaphore, #tpu.memory_space<semaphore_mem>>) src(%dma_wait3A_101 : memref<512x128xf32, #tpu.memory_space<vmem_shared>>) dst(%arg16 : memref<64x128xf32, #tpu.memory_space<vmem>>)
      %dma_wait3A_102 = tpu.memref_slice %arg11[%multiple_of3A_93] : memref<2048xi32, #tpu.memory_space<vmem>> -> memref<64xi32, #tpu.memory_space<vmem>>
      %dma_wait3A_103 = arith.constant 0 : i32
      %dma_wait3A_104 = arith.constant 0 : i32
      %dma_wait3A_105 = tpu.memref_slice %arg7[%dma_wait3A_103, %dma_wait3A_104] : memref<4096x128xf32, #tpu.memory_space<hbm>> -> memref<4096x128xf32, #tpu.memory_space<hbm>>
      tpu.wait_indirect_dma semaphore(%arg31 : memref<!tpu.dma_semaphore, #tpu.memory_space<semaphore_mem>>) src(%dma_wait3A_105 : memref<4096x128xf32, #tpu.memory_space<hbm>>) dst(%arg17 : memref<64x128xf32, #tpu.memory_space<vmem>>)
      %parallel_loop3A_106 = arith.constant 0 : i32
      %parallel_loop3A_107 = arith.constant 64 : i32
      %parallel_loop3A_108 = arith.constant 1 : i32
      scf.for %parallel_loop3A_207 = %parallel_loop3A_106 to %parallel_loop3A_107 step %parallel_loop3A_108  : i32 {
        %parallel_loop3A_208 = arith.index_cast %parallel_loop3A_207 : i32 to index
        %parallel_loop3A_209 = arith.constant 0 : index
        %parallel_loop3A_210 = tpu.vector_load %arg16[%parallel_loop3A_208, %parallel_loop3A_209] {strides = array<i32>} : memref<64x128xf32, #tpu.memory_space<vmem>>, vector<1x16xf32>,
        %parallel_loop3A_211 = vector.shape_cast %parallel_loop3A_210 : vector<1x16xf32> to vector<16xf32>
        %parallel_loop3A_212 = arith.index_cast %parallel_loop3A_207 : i32 to index
        %parallel_loop3A_213 = arith.constant 0 : index
        %parallel_loop3A_214 = tpu.vector_load %arg17[%parallel_loop3A_212, %parallel_loop3A_213] {strides = array<i32>} : memref<64x128xf32, #tpu.memory_space<vmem>>, vector<1x16xf32>,
        %parallel_loop3A_215 = vector.shape_cast %parallel_loop3A_214 : vector<1x16xf32> to vector<16xf32>
        %parallel_loop3A_216 = arith.addf %parallel_loop3A_211, %parallel_loop3A_215 : vector<16xf32>
        %parallel_loop3A_217 = arith.index_cast %parallel_loop3A_207 : i32 to index
        %parallel_loop3A_218 = arith.constant 0 : index
        %parallel_loop3A_219 = tpu.vector_load %arg15[%parallel_loop3A_217, %parallel_loop3A_218] {strides = array<i32>} : memref<64x128xf32, #tpu.memory_space<vmem>>, vector<1x16xf32>,
        %parallel_loop3A_220 = vector.shape_cast %parallel_loop3A_219 : vector<1x16xf32> to vector<16xf32>
        %parallel_loop3A_221 = vector.shape_cast %parallel_loop3A_216 : vector<16xf32> to vector<1x16xf32>
        tpu.vector_store %arg15[%parallel_loop3A_217, %parallel_loop3A_218], %parallel_loop3A_221 {add = true, strides = array<i32>} : memref<64x128xf32, #tpu.memory_space<vmem>>, vector<1x16xf32>,
        %parallel_loop3A_222 = arith.index_cast %parallel_loop3A_207 : i32 to index
        %parallel_loop3A_223 = arith.constant 16 : index
        %parallel_loop3A_224 = tpu.vector_load %arg16[%parallel_loop3A_222, %parallel_loop3A_223] {strides = array<i32>} : memref<64x128xf32, #tpu.memory_space<vmem>>, vector<1x16xf32>,
        %parallel_loop3A_225 = vector.shape_cast %parallel_loop3A_224 : vector<1x16xf32> to vector<16xf32>
        %parallel_loop3A_226 = arith.index_cast %parallel_loop3A_207 : i32 to index
        %parallel_loop3A_227 = arith.constant 16 : index
        %parallel_loop3A_228 = tpu.vector_load %arg17[%parallel_loop3A_226, %parallel_loop3A_227] {strides = array<i32>} : memref<64x128xf32, #tpu.memory_space<vmem>>, vector<1x16xf32>,
        %parallel_loop3A_229 = vector.shape_cast %parallel_loop3A_228 : vector<1x16xf32> to vector<16xf32>
        %parallel_loop3A_230 = arith.addf %parallel_loop3A_225, %parallel_loop3A_229 : vector<16xf32>
        %parallel_loop3A_231 = arith.index_cast %parallel_loop3A_207 : i32 to index
        %parallel_loop3A_232 = arith.constant 16 : index
        %parallel_loop3A_233 = tpu.vector_load %arg15[%parallel_loop3A_231, %parallel_loop3A_232] {strides = array<i32>} : memref<64x128xf32, #tpu.memory_space<vmem>>, vector<1x16xf32>,
        %parallel_loop3A_234 = vector.shape_cast %parallel_loop3A_233 : vector<1x16xf32> to vector<16xf32>
        %parallel_loop3A_235 = vector.shape_cast %parallel_loop3A_230 : vector<16xf32> to vector<1x16xf32>
        tpu.vector_store %arg15[%parallel_loop3A_231, %parallel_loop3A_232], %parallel_loop3A_235 {add = true, strides = array<i32>} : memref<64x128xf32, #tpu.memory_space<vmem>>, vector<1x16xf32>,
        %parallel_loop3A_236 = arith.index_cast %parallel_loop3A_207 : i32 to index
        %parallel_loop3A_237 = arith.constant 32 : index
        %parallel_loop3A_238 = tpu.vector_load %arg16[%parallel_loop3A_236, %parallel_loop3A_237] {strides = array<i32>} : memref<64x128xf32, #tpu.memory_space<vmem>>, vector<1x16xf32>,
        %parallel_loop3A_239 = vector.shape_cast %parallel_loop3A_238 : vector<1x16xf32> to vector<16xf32>
        %parallel_loop3A_240 = arith.index_cast %parallel_loop3A_207 : i32 to index
        %parallel_loop3A_241 = arith.constant 32 : index
        %parallel_loop3A_242 = tpu.vector_load %arg17[%parallel_loop3A_240, %parallel_loop3A_241] {strides = array<i32>} : memref<64x128xf32, #tpu.memory_space<vmem>>, vector<1x16xf32>,
        %parallel_loop3A_243 = vector.shape_cast %parallel_loop3A_242 : vector<1x16xf32> to vector<16xf32>
        %parallel_loop3A_244 = arith.addf %parallel_loop3A_239, %parallel_loop3A_243 : vector<16xf32>
        %parallel_loop3A_245 = arith.index_cast %parallel_loop3A_207 : i32 to index
        %parallel_loop3A_246 = arith.constant 32 : index
        %parallel_loop3A_247 = tpu.vector_load %arg15[%parallel_loop3A_245, %parallel_loop3A_246] {strides = array<i32>} : memref<64x128xf32, #tpu.memory_space<vmem>>, vector<1x16xf32>,
        %parallel_loop3A_248 = vector.shape_cast %parallel_loop3A_247 : vector<1x16xf32> to vector<16xf32>
        %parallel_loop3A_249 = vector.shape_cast %parallel_loop3A_244 : vector<16xf32> to vector<1x16xf32>
        tpu.vector_store %arg15[%parallel_loop3A_245, %parallel_loop3A_246], %parallel_loop3A_249 {add = true, strides = array<i32>} : memref<64x128xf32, #tpu.memory_space<vmem>>, vector<1x16xf32>,
        %parallel_loop3A_250 = arith.index_cast %parallel_loop3A_207 : i32 to index
        %parallel_loop3A_251 = arith.constant 48 : index
        %parallel_loop3A_252 = tpu.vector_load %arg16[%parallel_loop3A_250, %parallel_loop3A_251] {strides = array<i32>} : memref<64x128xf32, #tpu.memory_space<vmem>>, vector<1x16xf32>,
        %parallel_loop3A_253 = vector.shape_cast %parallel_loop3A_252 : vector<1x16xf32> to vector<16xf32>
        %parallel_loop3A_254 = arith.index_cast %parallel_loop3A_207 : i32 to index
        %parallel_loop3A_255 = arith.constant 48 : index
        %parallel_loop3A_256 = tpu.vector_load %arg17[%parallel_loop3A_254, %parallel_loop3A_255] {strides = array<i32>} : memref<64x128xf32, #tpu.memory_space<vmem>>, vector<1x16xf32>,
        %parallel_loop3A_257 = vector.shape_cast %parallel_loop3A_256 : vector<1x16xf32> to vector<16xf32>
        %parallel_loop3A_258 = arith.addf %parallel_loop3A_253, %parallel_loop3A_257 : vector<16xf32>
        %parallel_loop3A_259 = arith.index_cast %parallel_loop3A_207 : i32 to index
        %parallel_loop3A_260 = arith.constant 48 : index
        %parallel_loop3A_261 = tpu.vector_load %arg15[%parallel_loop3A_259, %parallel_loop3A_260] {strides = array<i32>} : memref<64x128xf32, #tpu.memory_space<vmem>>, vector<1x16xf32>,
        %parallel_loop3A_262 = vector.shape_cast %parallel_loop3A_261 : vector<1x16xf32> to vector<16xf32>
        %parallel_loop3A_263 = vector.shape_cast %parallel_loop3A_258 : vector<16xf32> to vector<1x16xf32>
        tpu.vector_store %arg15[%parallel_loop3A_259, %parallel_loop3A_260], %parallel_loop3A_263 {add = true, strides = array<i32>} : memref<64x128xf32, #tpu.memory_space<vmem>>, vector<1x16xf32>,
        %parallel_loop3A_264 = arith.index_cast %parallel_loop3A_207 : i32 to index
        %parallel_loop3A_265 = arith.constant 64 : index
        %parallel_loop3A_266 = tpu.vector_load %arg16[%parallel_loop3A_264, %parallel_loop3A_265] {strides = array<i32>} : memref<64x128xf32, #tpu.memory_space<vmem>>, vector<1x16xf32>,
        %parallel_loop3A_267 = vector.shape_cast %parallel_loop3A_266 : vector<1x16xf32> to vector<16xf32>
        %parallel_loop3A_268 = arith.index_cast %parallel_loop3A_207 : i32 to index
        %parallel_loop3A_269 = arith.constant 64 : index
        %parallel_loop3A_270 = tpu.vector_load %arg17[%parallel_loop3A_268, %parallel_loop3A_269] {strides = array<i32>} : memref<64x128xf32, #tpu.memory_space<vmem>>, vector<1x16xf32>,
        %parallel_loop3A_271 = vector.shape_cast %parallel_loop3A_270 : vector<1x16xf32> to vector<16xf32>
        %parallel_loop3A_272 = arith.addf %parallel_loop3A_267, %parallel_loop3A_271 : vector<16xf32>
        %parallel_loop3A_273 = arith.index_cast %parallel_loop3A_207 : i32 to index
        %parallel_loop3A_274 = arith.constant 64 : index
        %parallel_loop3A_275 = tpu.vector_load %arg15[%parallel_loop3A_273, %parallel_loop3A_274] {strides = array<i32>} : memref<64x128xf32, #tpu.memory_space<vmem>>, vector<1x16xf32>,
        %parallel_loop3A_276 = vector.shape_cast %parallel_loop3A_275 : vector<1x16xf32> to vector<16xf32>
        %parallel_loop3A_277 = vector.shape_cast %parallel_loop3A_272 : vector<16xf32> to vector<1x16xf32>
        tpu.vector_store %arg15[%parallel_loop3A_273, %parallel_loop3A_274], %parallel_loop3A_277 {add = true, strides = array<i32>} : memref<64x128xf32, #tpu.memory_space<vmem>>, vector<1x16xf32>,
        %parallel_loop3A_278 = arith.index_cast %parallel_loop3A_207 : i32 to index
        %parallel_loop3A_279 = arith.constant 80 : index
        %parallel_loop3A_280 = tpu.vector_load %arg16[%parallel_loop3A_278, %parallel_loop3A_279] {strides = array<i32>} : memref<64x128xf32, #tpu.memory_space<vmem>>, vector<1x16xf32>,
        %parallel_loop3A_281 = vector.shape_cast %parallel_loop3A_280 : vector<1x16xf32> to vector<16xf32>
        %parallel_loop3A_282 = arith.index_cast %parallel_loop3A_207 : i32 to index
        %parallel_loop3A_283 = arith.constant 80 : index
        %parallel_loop3A_284 = tpu.vector_load %arg17[%parallel_loop3A_282, %parallel_loop3A_283] {strides = array<i32>} : memref<64x128xf32, #tpu.memory_space<vmem>>, vector<1x16xf32>,
        %parallel_loop3A_285 = vector.shape_cast %parallel_loop3A_284 : vector<1x16xf32> to vector<16xf32>
        %parallel_loop3A_286 = arith.addf %parallel_loop3A_281, %parallel_loop3A_285 : vector<16xf32>
        %parallel_loop3A_287 = arith.index_cast %parallel_loop3A_207 : i32 to index
        %parallel_loop3A_288 = arith.constant 80 : index
        %parallel_loop3A_289 = tpu.vector_load %arg15[%parallel_loop3A_287, %parallel_loop3A_288] {strides = array<i32>} : memref<64x128xf32, #tpu.memory_space<vmem>>, vector<1x16xf32>,
        %parallel_loop3A_290 = vector.shape_cast %parallel_loop3A_289 : vector<1x16xf32> to vector<16xf32>
        %parallel_loop3A_291 = vector.shape_cast %parallel_loop3A_286 : vector<16xf32> to vector<1x16xf32>
        tpu.vector_store %arg15[%parallel_loop3A_287, %parallel_loop3A_288], %parallel_loop3A_291 {add = true, strides = array<i32>} : memref<64x128xf32, #tpu.memory_space<vmem>>, vector<1x16xf32>,
        %parallel_loop3A_292 = arith.index_cast %parallel_loop3A_207 : i32 to index
        %parallel_loop3A_293 = arith.constant 96 : index
        %parallel_loop3A_294 = tpu.vector_load %arg16[%parallel_loop3A_292, %parallel_loop3A_293] {strides = array<i32>} : memref<64x128xf32, #tpu.memory_space<vmem>>, vector<1x16xf32>,
        %parallel_loop3A_295 = vector.shape_cast %parallel_loop3A_294 : vector<1x16xf32> to vector<16xf32>
        %parallel_loop3A_296 = arith.index_cast %parallel_loop3A_207 : i32 to index
        %parallel_loop3A_297 = arith.constant 96 : index
        %parallel_loop3A_298 = tpu.vector_load %arg17[%parallel_loop3A_296, %parallel_loop3A_297] {strides = array<i32>} : memref<64x128xf32, #tpu.memory_space<vmem>>, vector<1x16xf32>,
        %parallel_loop3A_299 = vector.shape_cast %parallel_loop3A_298 : vector<1x16xf32> to vector<16xf32>
        %parallel_loop3A_300 = arith.addf %parallel_loop3A_295, %parallel_loop3A_299 : vector<16xf32>
        %parallel_loop3A_301 = arith.index_cast %parallel_loop3A_207 : i32 to index
        %parallel_loop3A_302 = arith.constant 96 : index
        %parallel_loop3A_303 = tpu.vector_load %arg15[%parallel_loop3A_301, %parallel_loop3A_302] {strides = array<i32>} : memref<64x128xf32, #tpu.memory_space<vmem>>, vector<1x16xf32>,
        %parallel_loop3A_304 = vector.shape_cast %parallel_loop3A_303 : vector<1x16xf32> to vector<16xf32>
        %parallel_loop3A_305 = vector.shape_cast %parallel_loop3A_300 : vector<16xf32> to vector<1x16xf32>
        tpu.vector_store %arg15[%parallel_loop3A_301, %parallel_loop3A_302], %parallel_loop3A_305 {add = true, strides = array<i32>} : memref<64x128xf32, #tpu.memory_space<vmem>>, vector<1x16xf32>,
        %parallel_loop3A_306 = arith.index_cast %parallel_loop3A_207 : i32 to index
        %parallel_loop3A_307 = arith.constant 112 : index
        %parallel_loop3A_308 = tpu.vector_load %arg16[%parallel_loop3A_306, %parallel_loop3A_307] {strides = array<i32>} : memref<64x128xf32, #tpu.memory_space<vmem>>, vector<1x16xf32>,
        %parallel_loop3A_309 = vector.shape_cast %parallel_loop3A_308 : vector<1x16xf32> to vector<16xf32>
        %parallel_loop3A_310 = arith.index_cast %parallel_loop3A_207 : i32 to index
        %parallel_loop3A_311 = arith.constant 112 : index
        %parallel_loop3A_312 = tpu.vector_load %arg17[%parallel_loop3A_310, %parallel_loop3A_311] {strides = array<i32>} : memref<64x128xf32, #tpu.memory_space<vmem>>, vector<1x16xf32>,
        %parallel_loop3A_313 = vector.shape_cast %parallel_loop3A_312 : vector<1x16xf32> to vector<16xf32>
        %parallel_loop3A_314 = arith.addf %parallel_loop3A_309, %parallel_loop3A_313 : vector<16xf32>
        %parallel_loop3A_315 = arith.index_cast %parallel_loop3A_207 : i32 to index
        %parallel_loop3A_316 = arith.constant 112 : index
        %parallel_loop3A_317 = tpu.vector_load %arg15[%parallel_loop3A_315, %parallel_loop3A_316] {strides = array<i32>} : memref<64x128xf32, #tpu.memory_space<vmem>>, vector<1x16xf32>,
        %parallel_loop3A_318 = vector.shape_cast %parallel_loop3A_317 : vector<1x16xf32> to vector<16xf32>
        %parallel_loop3A_319 = vector.shape_cast %parallel_loop3A_314 : vector<16xf32> to vector<1x16xf32>
        tpu.vector_store %arg15[%parallel_loop3A_315, %parallel_loop3A_316], %parallel_loop3A_319 {add = true, strides = array<i32>} : memref<64x128xf32, #tpu.memory_space<vmem>>, vector<1x16xf32>,
      } {sc.loop_unroll_factor = 4 : i64, sc.parallel_access}
      %mul3A_109 = arith.constant 64 : i32
      %mul3A_110 = arith.muli %add3A_90, %mul3A_109 : i32
      %multiple_of3A_111 = tpu.assume_multiple %mul3A_110, 64 : i32
      %add3A_112 = arith.addi %mul3A_2, %multiple_of3A_111 : i32
      %dma_start3A_113 = arith.constant 0 : i32
      %dma_start3A_114 = tpu.memref_slice %arg8[%add3A_112, %dma_start3A_113] : memref<65536x128xf32, #tpu.memory_space<hbm>> -> memref<64x128xf32, #tpu.memory_space<hbm>>
      %dma_start3A_115 = arith.constant 0 : i32
      %dma_start3A_116 = tpu.memref_slice %arg8[%add3A_112, %dma_start3A_115] : memref<65536x128xf32, #tpu.memory_space<hbm>> -> memref<64x128xf32, #tpu.memory_space<hbm>>
      tpu.enqueue_dma source(%arg15 : memref<64x128xf32, #tpu.memory_space<vmem>>) target(%dma_start3A_116 : memref<64x128xf32, #tpu.memory_space<hbm>>) target_semaphore(%arg39 : memref<!tpu.dma_semaphore, #tpu.memory_space<semaphore_mem>>)
      %ge3A_117 = arith.constant 2 : i32
      %ge3A_118 = arith.cmpi sge, %add3A_90, %ge3A_117 : i32
      %convert_element_type3A_119 = arith.extui %ge3A_118 : i1 to i32
      %cond3A_120 = arith.constant 0 : i32
      %cond3A_121 = arith.cmpi ne, %convert_element_type3A_119, %cond3A_120 : i32
      scf.if %cond3A_121 {
        %sub3A = arith.constant 2 : i32
        %sub3A_207 = arith.subi %add3A_90, %sub3A : i32
        %mul3A_208 = arith.constant 64 : i32
        %mul3A_209 = arith.muli %sub3A_207, %mul3A_208 : i32
        %multiple_of3A_210 = tpu.assume_multiple %mul3A_209, 64 : i32
        %add3A_211 = arith.addi %mul3A_2, %multiple_of3A_210 : i32
        %dma_wait3A_212 = arith.constant 0 : i32
        %dma_wait3A_213 = tpu.memref_slice %arg8[%add3A_211, %dma_wait3A_212] : memref<65536x128xf32, #tpu.memory_space<hbm>> -> memref<64x128xf32, #tpu.memory_space<hbm>>
        %dma_wait3A_214 = arith.constant 0 : i32
        %dma_wait3A_215 = tpu.memref_slice %arg8[%add3A_211, %dma_wait3A_214] : memref<65536x128xf32, #tpu.memory_space<hbm>> -> memref<64x128xf32, #tpu.memory_space<hbm>>
        tpu.wait_dma2 semaphore(%arg41 : memref<!tpu.dma_semaphore, #tpu.memory_space<semaphore_mem>>) src(%arg21 : memref<64x128xf32, #tpu.memory_space<vmem>>) dst(%dma_wait3A_215 : memref<64x128xf32, #tpu.memory_space<hbm>>)
      } else {
      }
      %le3A_122 = arith.constant 29 : i32
      %le3A_123 = arith.cmpi sle, %add3A_90, %le3A_122 : i32
      %convert_element_type3A_124 = arith.extui %le3A_123 : i1 to i32
      %cond3A_125 = arith.constant 0 : i32
      %cond3A_126 = arith.cmpi ne, %convert_element_type3A_124, %cond3A_125 : i32
      scf.if %cond3A_126 {
        %add3A_207 = arith.constant 2 : i32
        %add3A_208 = arith.addi %add3A_90, %add3A_207 : i32
        %mul3A_209 = arith.constant 64 : i32
        %mul3A_210 = arith.muli %add3A_208, %mul3A_209 : i32
        %multiple_of3A_211 = tpu.assume_multiple %mul3A_210, 64 : i32
        %dma_start3A_212 = tpu.memref_slice %arg9[%multiple_of3A_211] : memref<2048xi32, #tpu.memory_space<vmem>> -> memref<64xi32, #tpu.memory_space<vmem>>
        %dma_start3A_213 = arith.constant 0 : i32
        %dma_start3A_214 = arith.constant 0 : i32
        %dma_start3A_215 = tpu.memref_slice %arg24[%dma_start3A_213, %dma_start3A_214] : memref<400x128xf32, #tpu.memory_space<vmem_shared>> -> memref<400x128xf32, #tpu.memory_space<vmem_shared>>
        tpu.enqueue_indirect_dma source(%dma_start3A_215 : memref<400x128xf32, #tpu.memory_space<vmem_shared>>) target(%arg21 : memref<64x128xf32, #tpu.memory_space<vmem>>) offsets(%dma_start3A_212 : memref<64xi32, #tpu.memory_space<vmem>>) semaphore(%arg35 : memref<!tpu.dma_semaphore, #tpu.memory_space<semaphore_mem>>)
        %dma_start3A_216 = tpu.memref_slice %arg10[%multiple_of3A_211] : memref<2048xi32, #tpu.memory_space<vmem>> -> memref<64xi32, #tpu.memory_space<vmem>>
        %dma_start3A_217 = arith.constant 0 : i32
        %dma_start3A_218 = arith.constant 0 : i32
        %dma_start3A_219 = tpu.memref_slice %arg25[%dma_start3A_217, %dma_start3A_218] : memref<512x128xf32, #tpu.memory_space<vmem_shared>> -> memref<512x128xf32, #tpu.memory_space<vmem_shared>>
        tpu.enqueue_indirect_dma source(%dma_start3A_219 : memref<512x128xf32, #tpu.memory_space<vmem_shared>>) target(%arg22 : memref<64x128xf32, #tpu.memory_space<vmem>>) offsets(%dma_start3A_216 : memref<64xi32, #tpu.memory_space<vmem>>) semaphore(%arg36 : memref<!tpu.dma_semaphore, #tpu.memory_space<semaphore_mem>>)
        %dma_start3A_220 = tpu.memref_slice %arg11[%multiple_of3A_211] : memref<2048xi32, #tpu.memory_space<vmem>> -> memref<64xi32, #tpu.memory_space<vmem>>
        %dma_start3A_221 = arith.constant 0 : i32
        %dma_start3A_222 = arith.constant 0 : i32
        %dma_start3A_223 = tpu.memref_slice %arg7[%dma_start3A_221, %dma_start3A_222] : memref<4096x128xf32, #tpu.memory_space<hbm>> -> memref<4096x128xf32, #tpu.memory_space<hbm>>
        tpu.enqueue_indirect_dma source(%dma_start3A_223 : memref<4096x128xf32, #tpu.memory_space<hbm>>) target(%arg23 : memref<64x128xf32, #tpu.memory_space<vmem>>) offsets(%dma_start3A_220 : memref<64xi32, #tpu.memory_space<vmem>>) semaphore(%arg37 : memref<!tpu.dma_semaphore, #tpu.memory_space<semaphore_mem>>)
      } else {
      }
      %mul3A_127 = arith.constant 4 : i32
      %mul3A_128 = arith.muli %mul3A_127, %scan3A_49 : i32
      %add3A_129 = arith.constant 2 : i32
      %add3A_130 = arith.addi %mul3A_128, %add3A_129 : i32
      %mul3A_131 = arith.constant 64 : i32
      %mul3A_132 = arith.muli %add3A_130, %mul3A_131 : i32
      %multiple_of3A_133 = tpu.assume_multiple %mul3A_132, 64 : i32
      %dma_wait3A_134 = tpu.memref_slice %arg9[%multiple_of3A_133] : memref<2048xi32, #tpu.memory_space<vmem>> -> memref<64xi32, #tpu.memory_space<vmem>>
      %dma_wait3A_135 = arith.constant 0 : i32
      %dma_wait3A_136 = arith.constant 0 : i32
      %dma_wait3A_137 = tpu.memref_slice %arg24[%dma_wait3A_135, %dma_wait3A_136] : memref<400x128xf32, #tpu.memory_space<vmem_shared>> -> memref<400x128xf32, #tpu.memory_space<vmem_shared>>
      tpu.wait_indirect_dma semaphore(%arg32 : memref<!tpu.dma_semaphore, #tpu.memory_space<semaphore_mem>>) src(%dma_wait3A_137 : memref<400x128xf32, #tpu.memory_space<vmem_shared>>) dst(%arg18 : memref<64x128xf32, #tpu.memory_space<vmem>>)
      %dma_wait3A_138 = tpu.memref_slice %arg10[%multiple_of3A_133] : memref<2048xi32, #tpu.memory_space<vmem>> -> memref<64xi32, #tpu.memory_space<vmem>>
      %dma_wait3A_139 = arith.constant 0 : i32
      %dma_wait3A_140 = arith.constant 0 : i32
      %dma_wait3A_141 = tpu.memref_slice %arg25[%dma_wait3A_139, %dma_wait3A_140] : memref<512x128xf32, #tpu.memory_space<vmem_shared>> -> memref<512x128xf32, #tpu.memory_space<vmem_shared>>
      tpu.wait_indirect_dma semaphore(%arg33 : memref<!tpu.dma_semaphore, #tpu.memory_space<semaphore_mem>>) src(%dma_wait3A_141 : memref<512x128xf32, #tpu.memory_space<vmem_shared>>) dst(%arg19 : memref<64x128xf32, #tpu.memory_space<vmem>>)
      %dma_wait3A_142 = tpu.memref_slice %arg11[%multiple_of3A_133] : memref<2048xi32, #tpu.memory_space<vmem>> -> memref<64xi32, #tpu.memory_space<vmem>>
      %dma_wait3A_143 = arith.constant 0 : i32
      %dma_wait3A_144 = arith.constant 0 : i32
      %dma_wait3A_145 = tpu.memref_slice %arg7[%dma_wait3A_143, %dma_wait3A_144] : memref<4096x128xf32, #tpu.memory_space<hbm>> -> memref<4096x128xf32, #tpu.memory_space<hbm>>
      tpu.wait_indirect_dma semaphore(%arg34 : memref<!tpu.dma_semaphore, #tpu.memory_space<semaphore_mem>>) src(%dma_wait3A_145 : memref<4096x128xf32, #tpu.memory_space<hbm>>) dst(%arg20 : memref<64x128xf32, #tpu.memory_space<vmem>>)
      %parallel_loop3A_146 = arith.constant 0 : i32
      %parallel_loop3A_147 = arith.constant 64 : i32
      %parallel_loop3A_148 = arith.constant 1 : i32
      scf.for %parallel_loop3A_207 = %parallel_loop3A_146 to %parallel_loop3A_147 step %parallel_loop3A_148  : i32 {
        %parallel_loop3A_208 = arith.index_cast %parallel_loop3A_207 : i32 to index
        %parallel_loop3A_209 = arith.constant 0 : index
        %parallel_loop3A_210 = tpu.vector_load %arg19[%parallel_loop3A_208, %parallel_loop3A_209] {strides = array<i32>} : memref<64x128xf32, #tpu.memory_space<vmem>>, vector<1x16xf32>,
        %parallel_loop3A_211 = vector.shape_cast %parallel_loop3A_210 : vector<1x16xf32> to vector<16xf32>
        %parallel_loop3A_212 = arith.index_cast %parallel_loop3A_207 : i32 to index
        %parallel_loop3A_213 = arith.constant 0 : index
        %parallel_loop3A_214 = tpu.vector_load %arg20[%parallel_loop3A_212, %parallel_loop3A_213] {strides = array<i32>} : memref<64x128xf32, #tpu.memory_space<vmem>>, vector<1x16xf32>,
        %parallel_loop3A_215 = vector.shape_cast %parallel_loop3A_214 : vector<1x16xf32> to vector<16xf32>
        %parallel_loop3A_216 = arith.addf %parallel_loop3A_211, %parallel_loop3A_215 : vector<16xf32>
        %parallel_loop3A_217 = arith.index_cast %parallel_loop3A_207 : i32 to index
        %parallel_loop3A_218 = arith.constant 0 : index
        %parallel_loop3A_219 = tpu.vector_load %arg18[%parallel_loop3A_217, %parallel_loop3A_218] {strides = array<i32>} : memref<64x128xf32, #tpu.memory_space<vmem>>, vector<1x16xf32>,
        %parallel_loop3A_220 = vector.shape_cast %parallel_loop3A_219 : vector<1x16xf32> to vector<16xf32>
        %parallel_loop3A_221 = vector.shape_cast %parallel_loop3A_216 : vector<16xf32> to vector<1x16xf32>
        tpu.vector_store %arg18[%parallel_loop3A_217, %parallel_loop3A_218], %parallel_loop3A_221 {add = true, strides = array<i32>} : memref<64x128xf32, #tpu.memory_space<vmem>>, vector<1x16xf32>,
        %parallel_loop3A_222 = arith.index_cast %parallel_loop3A_207 : i32 to index
        %parallel_loop3A_223 = arith.constant 16 : index
        %parallel_loop3A_224 = tpu.vector_load %arg19[%parallel_loop3A_222, %parallel_loop3A_223] {strides = array<i32>} : memref<64x128xf32, #tpu.memory_space<vmem>>, vector<1x16xf32>,
        %parallel_loop3A_225 = vector.shape_cast %parallel_loop3A_224 : vector<1x16xf32> to vector<16xf32>
        %parallel_loop3A_226 = arith.index_cast %parallel_loop3A_207 : i32 to index
        %parallel_loop3A_227 = arith.constant 16 : index
        %parallel_loop3A_228 = tpu.vector_load %arg20[%parallel_loop3A_226, %parallel_loop3A_227] {strides = array<i32>} : memref<64x128xf32, #tpu.memory_space<vmem>>, vector<1x16xf32>,
        %parallel_loop3A_229 = vector.shape_cast %parallel_loop3A_228 : vector<1x16xf32> to vector<16xf32>
        %parallel_loop3A_230 = arith.addf %parallel_loop3A_225, %parallel_loop3A_229 : vector<16xf32>
        %parallel_loop3A_231 = arith.index_cast %parallel_loop3A_207 : i32 to index
        %parallel_loop3A_232 = arith.constant 16 : index
        %parallel_loop3A_233 = tpu.vector_load %arg18[%parallel_loop3A_231, %parallel_loop3A_232] {strides = array<i32>} : memref<64x128xf32, #tpu.memory_space<vmem>>, vector<1x16xf32>,
        %parallel_loop3A_234 = vector.shape_cast %parallel_loop3A_233 : vector<1x16xf32> to vector<16xf32>
        %parallel_loop3A_235 = vector.shape_cast %parallel_loop3A_230 : vector<16xf32> to vector<1x16xf32>
        tpu.vector_store %arg18[%parallel_loop3A_231, %parallel_loop3A_232], %parallel_loop3A_235 {add = true, strides = array<i32>} : memref<64x128xf32, #tpu.memory_space<vmem>>, vector<1x16xf32>,
        %parallel_loop3A_236 = arith.index_cast %parallel_loop3A_207 : i32 to index
        %parallel_loop3A_237 = arith.constant 32 : index
        %parallel_loop3A_238 = tpu.vector_load %arg19[%parallel_loop3A_236, %parallel_loop3A_237] {strides = array<i32>} : memref<64x128xf32, #tpu.memory_space<vmem>>, vector<1x16xf32>,
        %parallel_loop3A_239 = vector.shape_cast %parallel_loop3A_238 : vector<1x16xf32> to vector<16xf32>
        %parallel_loop3A_240 = arith.index_cast %parallel_loop3A_207 : i32 to index
        %parallel_loop3A_241 = arith.constant 32 : index
        %parallel_loop3A_242 = tpu.vector_load %arg20[%parallel_loop3A_240, %parallel_loop3A_241] {strides = array<i32>} : memref<64x128xf32, #tpu.memory_space<vmem>>, vector<1x16xf32>,
        %parallel_loop3A_243 = vector.shape_cast %parallel_loop3A_242 : vector<1x16xf32> to vector<16xf32>
        %parallel_loop3A_244 = arith.addf %parallel_loop3A_239, %parallel_loop3A_243 : vector<16xf32>
        %parallel_loop3A_245 = arith.index_cast %parallel_loop3A_207 : i32 to index
        %parallel_loop3A_246 = arith.constant 32 : index
        %parallel_loop3A_247 = tpu.vector_load %arg18[%parallel_loop3A_245, %parallel_loop3A_246] {strides = array<i32>} : memref<64x128xf32, #tpu.memory_space<vmem>>, vector<1x16xf32>,
        %parallel_loop3A_248 = vector.shape_cast %parallel_loop3A_247 : vector<1x16xf32> to vector<16xf32>
        %parallel_loop3A_249 = vector.shape_cast %parallel_loop3A_244 : vector<16xf32> to vector<1x16xf32>
        tpu.vector_store %arg18[%parallel_loop3A_245, %parallel_loop3A_246], %parallel_loop3A_249 {add = true, strides = array<i32>} : memref<64x128xf32, #tpu.memory_space<vmem>>, vector<1x16xf32>,
        %parallel_loop3A_250 = arith.index_cast %parallel_loop3A_207 : i32 to index
        %parallel_loop3A_251 = arith.constant 48 : index
        %parallel_loop3A_252 = tpu.vector_load %arg19[%parallel_loop3A_250, %parallel_loop3A_251] {strides = array<i32>} : memref<64x128xf32, #tpu.memory_space<vmem>>, vector<1x16xf32>,
        %parallel_loop3A_253 = vector.shape_cast %parallel_loop3A_252 : vector<1x16xf32> to vector<16xf32>
        %parallel_loop3A_254 = arith.index_cast %parallel_loop3A_207 : i32 to index
        %parallel_loop3A_255 = arith.constant 48 : index
        %parallel_loop3A_256 = tpu.vector_load %arg20[%parallel_loop3A_254, %parallel_loop3A_255] {strides = array<i32>} : memref<64x128xf32, #tpu.memory_space<vmem>>, vector<1x16xf32>,
        %parallel_loop3A_257 = vector.shape_cast %parallel_loop3A_256 : vector<1x16xf32> to vector<16xf32>
        %parallel_loop3A_258 = arith.addf %parallel_loop3A_253, %parallel_loop3A_257 : vector<16xf32>
        %parallel_loop3A_259 = arith.index_cast %parallel_loop3A_207 : i32 to index
        %parallel_loop3A_260 = arith.constant 48 : index
        %parallel_loop3A_261 = tpu.vector_load %arg18[%parallel_loop3A_259, %parallel_loop3A_260] {strides = array<i32>} : memref<64x128xf32, #tpu.memory_space<vmem>>, vector<1x16xf32>,
        %parallel_loop3A_262 = vector.shape_cast %parallel_loop3A_261 : vector<1x16xf32> to vector<16xf32>
        %parallel_loop3A_263 = vector.shape_cast %parallel_loop3A_258 : vector<16xf32> to vector<1x16xf32>
        tpu.vector_store %arg18[%parallel_loop3A_259, %parallel_loop3A_260], %parallel_loop3A_263 {add = true, strides = array<i32>} : memref<64x128xf32, #tpu.memory_space<vmem>>, vector<1x16xf32>,
        %parallel_loop3A_264 = arith.index_cast %parallel_loop3A_207 : i32 to index
        %parallel_loop3A_265 = arith.constant 64 : index
        %parallel_loop3A_266 = tpu.vector_load %arg19[%parallel_loop3A_264, %parallel_loop3A_265] {strides = array<i32>} : memref<64x128xf32, #tpu.memory_space<vmem>>, vector<1x16xf32>,
        %parallel_loop3A_267 = vector.shape_cast %parallel_loop3A_266 : vector<1x16xf32> to vector<16xf32>
        %parallel_loop3A_268 = arith.index_cast %parallel_loop3A_207 : i32 to index
        %parallel_loop3A_269 = arith.constant 64 : index
        %parallel_loop3A_270 = tpu.vector_load %arg20[%parallel_loop3A_268, %parallel_loop3A_269] {strides = array<i32>} : memref<64x128xf32, #tpu.memory_space<vmem>>, vector<1x16xf32>,
        %parallel_loop3A_271 = vector.shape_cast %parallel_loop3A_270 : vector<1x16xf32> to vector<16xf32>
        %parallel_loop3A_272 = arith.addf %parallel_loop3A_267, %parallel_loop3A_271 : vector<16xf32>
        %parallel_loop3A_273 = arith.index_cast %parallel_loop3A_207 : i32 to index
        %parallel_loop3A_274 = arith.constant 64 : index
        %parallel_loop3A_275 = tpu.vector_load %arg18[%parallel_loop3A_273, %parallel_loop3A_274] {strides = array<i32>} : memref<64x128xf32, #tpu.memory_space<vmem>>, vector<1x16xf32>,
        %parallel_loop3A_276 = vector.shape_cast %parallel_loop3A_275 : vector<1x16xf32> to vector<16xf32>
        %parallel_loop3A_277 = vector.shape_cast %parallel_loop3A_272 : vector<16xf32> to vector<1x16xf32>
        tpu.vector_store %arg18[%parallel_loop3A_273, %parallel_loop3A_274], %parallel_loop3A_277 {add = true, strides = array<i32>} : memref<64x128xf32, #tpu.memory_space<vmem>>, vector<1x16xf32>,
        %parallel_loop3A_278 = arith.index_cast %parallel_loop3A_207 : i32 to index
        %parallel_loop3A_279 = arith.constant 80 : index
        %parallel_loop3A_280 = tpu.vector_load %arg19[%parallel_loop3A_278, %parallel_loop3A_279] {strides = array<i32>} : memref<64x128xf32, #tpu.memory_space<vmem>>, vector<1x16xf32>,
        %parallel_loop3A_281 = vector.shape_cast %parallel_loop3A_280 : vector<1x16xf32> to vector<16xf32>
        %parallel_loop3A_282 = arith.index_cast %parallel_loop3A_207 : i32 to index
        %parallel_loop3A_283 = arith.constant 80 : index
        %parallel_loop3A_284 = tpu.vector_load %arg20[%parallel_loop3A_282, %parallel_loop3A_283] {strides = array<i32>} : memref<64x128xf32, #tpu.memory_space<vmem>>, vector<1x16xf32>,
        %parallel_loop3A_285 = vector.shape_cast %parallel_loop3A_284 : vector<1x16xf32> to vector<16xf32>
        %parallel_loop3A_286 = arith.addf %parallel_loop3A_281, %parallel_loop3A_285 : vector<16xf32>
        %parallel_loop3A_287 = arith.index_cast %parallel_loop3A_207 : i32 to index
        %parallel_loop3A_288 = arith.constant 80 : index
        %parallel_loop3A_289 = tpu.vector_load %arg18[%parallel_loop3A_287, %parallel_loop3A_288] {strides = array<i32>} : memref<64x128xf32, #tpu.memory_space<vmem>>, vector<1x16xf32>,
        %parallel_loop3A_290 = vector.shape_cast %parallel_loop3A_289 : vector<1x16xf32> to vector<16xf32>
        %parallel_loop3A_291 = vector.shape_cast %parallel_loop3A_286 : vector<16xf32> to vector<1x16xf32>
        tpu.vector_store %arg18[%parallel_loop3A_287, %parallel_loop3A_288], %parallel_loop3A_291 {add = true, strides = array<i32>} : memref<64x128xf32, #tpu.memory_space<vmem>>, vector<1x16xf32>,
        %parallel_loop3A_292 = arith.index_cast %parallel_loop3A_207 : i32 to index
        %parallel_loop3A_293 = arith.constant 96 : index
        %parallel_loop3A_294 = tpu.vector_load %arg19[%parallel_loop3A_292, %parallel_loop3A_293] {strides = array<i32>} : memref<64x128xf32, #tpu.memory_space<vmem>>, vector<1x16xf32>,
        %parallel_loop3A_295 = vector.shape_cast %parallel_loop3A_294 : vector<1x16xf32> to vector<16xf32>
        %parallel_loop3A_296 = arith.index_cast %parallel_loop3A_207 : i32 to index
        %parallel_loop3A_297 = arith.constant 96 : index
        %parallel_loop3A_298 = tpu.vector_load %arg20[%parallel_loop3A_296, %parallel_loop3A_297] {strides = array<i32>} : memref<64x128xf32, #tpu.memory_space<vmem>>, vector<1x16xf32>,
        %parallel_loop3A_299 = vector.shape_cast %parallel_loop3A_298 : vector<1x16xf32> to vector<16xf32>
        %parallel_loop3A_300 = arith.addf %parallel_loop3A_295, %parallel_loop3A_299 : vector<16xf32>
        %parallel_loop3A_301 = arith.index_cast %parallel_loop3A_207 : i32 to index
        %parallel_loop3A_302 = arith.constant 96 : index
        %parallel_loop3A_303 = tpu.vector_load %arg18[%parallel_loop3A_301, %parallel_loop3A_302] {strides = array<i32>} : memref<64x128xf32, #tpu.memory_space<vmem>>, vector<1x16xf32>,
        %parallel_loop3A_304 = vector.shape_cast %parallel_loop3A_303 : vector<1x16xf32> to vector<16xf32>
        %parallel_loop3A_305 = vector.shape_cast %parallel_loop3A_300 : vector<16xf32> to vector<1x16xf32>
        tpu.vector_store %arg18[%parallel_loop3A_301, %parallel_loop3A_302], %parallel_loop3A_305 {add = true, strides = array<i32>} : memref<64x128xf32, #tpu.memory_space<vmem>>, vector<1x16xf32>,
        %parallel_loop3A_306 = arith.index_cast %parallel_loop3A_207 : i32 to index
        %parallel_loop3A_307 = arith.constant 112 : index
        %parallel_loop3A_308 = tpu.vector_load %arg19[%parallel_loop3A_306, %parallel_loop3A_307] {strides = array<i32>} : memref<64x128xf32, #tpu.memory_space<vmem>>, vector<1x16xf32>,
        %parallel_loop3A_309 = vector.shape_cast %parallel_loop3A_308 : vector<1x16xf32> to vector<16xf32>
        %parallel_loop3A_310 = arith.index_cast %parallel_loop3A_207 : i32 to index
        %parallel_loop3A_311 = arith.constant 112 : index
        %parallel_loop3A_312 = tpu.vector_load %arg20[%parallel_loop3A_310, %parallel_loop3A_311] {strides = array<i32>} : memref<64x128xf32, #tpu.memory_space<vmem>>, vector<1x16xf32>,
        %parallel_loop3A_313 = vector.shape_cast %parallel_loop3A_312 : vector<1x16xf32> to vector<16xf32>
        %parallel_loop3A_314 = arith.addf %parallel_loop3A_309, %parallel_loop3A_313 : vector<16xf32>
        %parallel_loop3A_315 = arith.index_cast %parallel_loop3A_207 : i32 to index
        %parallel_loop3A_316 = arith.constant 112 : index
        %parallel_loop3A_317 = tpu.vector_load %arg18[%parallel_loop3A_315, %parallel_loop3A_316] {strides = array<i32>} : memref<64x128xf32, #tpu.memory_space<vmem>>, vector<1x16xf32>,
        %parallel_loop3A_318 = vector.shape_cast %parallel_loop3A_317 : vector<1x16xf32> to vector<16xf32>
        %parallel_loop3A_319 = vector.shape_cast %parallel_loop3A_314 : vector<16xf32> to vector<1x16xf32>
        tpu.vector_store %arg18[%parallel_loop3A_315, %parallel_loop3A_316], %parallel_loop3A_319 {add = true, strides = array<i32>} : memref<64x128xf32, #tpu.memory_space<vmem>>, vector<1x16xf32>,
      } {sc.loop_unroll_factor = 4 : i64, sc.parallel_access}
      %mul3A_149 = arith.constant 64 : i32
      %mul3A_150 = arith.muli %add3A_130, %mul3A_149 : i32
      %multiple_of3A_151 = tpu.assume_multiple %mul3A_150, 64 : i32
      %add3A_152 = arith.addi %mul3A_2, %multiple_of3A_151 : i32
      %dma_start3A_153 = arith.constant 0 : i32
      %dma_start3A_154 = tpu.memref_slice %arg8[%add3A_152, %dma_start3A_153] : memref<65536x128xf32, #tpu.memory_space<hbm>> -> memref<64x128xf32, #tpu.memory_space<hbm>>
      %dma_start3A_155 = arith.constant 0 : i32
      %dma_start3A_156 = tpu.memref_slice %arg8[%add3A_152, %dma_start3A_155] : memref<65536x128xf32, #tpu.memory_space<hbm>> -> memref<64x128xf32, #tpu.memory_space<hbm>>
      tpu.enqueue_dma source(%arg18 : memref<64x128xf32, #tpu.memory_space<vmem>>) target(%dma_start3A_156 : memref<64x128xf32, #tpu.memory_space<hbm>>) target_semaphore(%arg40 : memref<!tpu.dma_semaphore, #tpu.memory_space<semaphore_mem>>)
      %ge3A_157 = arith.constant 2 : i32
      %ge3A_158 = arith.cmpi sge, %add3A_130, %ge3A_157 : i32
      %convert_element_type3A_159 = arith.extui %ge3A_158 : i1 to i32
      %cond3A_160 = arith.constant 0 : i32
      %cond3A_161 = arith.cmpi ne, %convert_element_type3A_159, %cond3A_160 : i32
      scf.if %cond3A_161 {
        %sub3A = arith.constant 2 : i32
        %sub3A_207 = arith.subi %add3A_130, %sub3A : i32
        %mul3A_208 = arith.constant 64 : i32
        %mul3A_209 = arith.muli %sub3A_207, %mul3A_208 : i32
        %multiple_of3A_210 = tpu.assume_multiple %mul3A_209, 64 : i32
        %add3A_211 = arith.addi %mul3A_2, %multiple_of3A_210 : i32
        %dma_wait3A_212 = arith.constant 0 : i32
        %dma_wait3A_213 = tpu.memref_slice %arg8[%add3A_211, %dma_wait3A_212] : memref<65536x128xf32, #tpu.memory_space<hbm>> -> memref<64x128xf32, #tpu.memory_space<hbm>>
        %dma_wait3A_214 = arith.constant 0 : i32
        %dma_wait3A_215 = tpu.memref_slice %arg8[%add3A_211, %dma_wait3A_214] : memref<65536x128xf32, #tpu.memory_space<hbm>> -> memref<64x128xf32, #tpu.memory_space<hbm>>
        tpu.wait_dma2 semaphore(%arg38 : memref<!tpu.dma_semaphore, #tpu.memory_space<semaphore_mem>>) src(%arg12 : memref<64x128xf32, #tpu.memory_space<vmem>>) dst(%dma_wait3A_215 : memref<64x128xf32, #tpu.memory_space<hbm>>)
      } else {
      }
      %le3A_162 = arith.constant 29 : i32
      %le3A_163 = arith.cmpi sle, %add3A_130, %le3A_162 : i32
      %convert_element_type3A_164 = arith.extui %le3A_163 : i1 to i32
      %cond3A_165 = arith.constant 0 : i32
      %cond3A_166 = arith.cmpi ne, %convert_element_type3A_164, %cond3A_165 : i32
      scf.if %cond3A_166 {
        %add3A_207 = arith.constant 2 : i32
        %add3A_208 = arith.addi %add3A_130, %add3A_207 : i32
        %mul3A_209 = arith.constant 64 : i32
        %mul3A_210 = arith.muli %add3A_208, %mul3A_209 : i32
        %multiple_of3A_211 = tpu.assume_multiple %mul3A_210, 64 : i32
        %dma_start3A_212 = tpu.memref_slice %arg9[%multiple_of3A_211] : memref<2048xi32, #tpu.memory_space<vmem>> -> memref<64xi32, #tpu.memory_space<vmem>>
        %dma_start3A_213 = arith.constant 0 : i32
        %dma_start3A_214 = arith.constant 0 : i32
        %dma_start3A_215 = tpu.memref_slice %arg24[%dma_start3A_213, %dma_start3A_214] : memref<400x128xf32, #tpu.memory_space<vmem_shared>> -> memref<400x128xf32, #tpu.memory_space<vmem_shared>>
        tpu.enqueue_indirect_dma source(%dma_start3A_215 : memref<400x128xf32, #tpu.memory_space<vmem_shared>>) target(%arg12 : memref<64x128xf32, #tpu.memory_space<vmem>>) offsets(%dma_start3A_212 : memref<64xi32, #tpu.memory_space<vmem>>) semaphore(%arg26 : memref<!tpu.dma_semaphore, #tpu.memory_space<semaphore_mem>>)
        %dma_start3A_216 = tpu.memref_slice %arg10[%multiple_of3A_211] : memref<2048xi32, #tpu.memory_space<vmem>> -> memref<64xi32, #tpu.memory_space<vmem>>
        %dma_start3A_217 = arith.constant 0 : i32
        %dma_start3A_218 = arith.constant 0 : i32
        %dma_start3A_219 = tpu.memref_slice %arg25[%dma_start3A_217, %dma_start3A_218] : memref<512x128xf32, #tpu.memory_space<vmem_shared>> -> memref<512x128xf32, #tpu.memory_space<vmem_shared>>
        tpu.enqueue_indirect_dma source(%dma_start3A_219 : memref<512x128xf32, #tpu.memory_space<vmem_shared>>) target(%arg13 : memref<64x128xf32, #tpu.memory_space<vmem>>) offsets(%dma_start3A_216 : memref<64xi32, #tpu.memory_space<vmem>>) semaphore(%arg27 : memref<!tpu.dma_semaphore, #tpu.memory_space<semaphore_mem>>)
        %dma_start3A_220 = tpu.memref_slice %arg11[%multiple_of3A_211] : memref<2048xi32, #tpu.memory_space<vmem>> -> memref<64xi32, #tpu.memory_space<vmem>>
        %dma_start3A_221 = arith.constant 0 : i32
        %dma_start3A_222 = arith.constant 0 : i32
        %dma_start3A_223 = tpu.memref_slice %arg7[%dma_start3A_221, %dma_start3A_222] : memref<4096x128xf32, #tpu.memory_space<hbm>> -> memref<4096x128xf32, #tpu.memory_space<hbm>>
        tpu.enqueue_indirect_dma source(%dma_start3A_223 : memref<4096x128xf32, #tpu.memory_space<hbm>>) target(%arg14 : memref<64x128xf32, #tpu.memory_space<vmem>>) offsets(%dma_start3A_220 : memref<64xi32, #tpu.memory_space<vmem>>) semaphore(%arg28 : memref<!tpu.dma_semaphore, #tpu.memory_space<semaphore_mem>>)
      } else {
      }
      %mul3A_167 = arith.constant 4 : i32
      %mul3A_168 = arith.muli %mul3A_167, %scan3A_49 : i32
      %add3A_169 = arith.constant 3 : i32
      %add3A_170 = arith.addi %mul3A_168, %add3A_169 : i32
      %mul3A_171 = arith.constant 64 : i32
      %mul3A_172 = arith.muli %add3A_170, %mul3A_171 : i32
      %multiple_of3A_173 = tpu.assume_multiple %mul3A_172, 64 : i32
      %dma_wait3A_174 = tpu.memref_slice %arg9[%multiple_of3A_173] : memref<2048xi32, #tpu.memory_space<vmem>> -> memref<64xi32, #tpu.memory_space<vmem>>
      %dma_wait3A_175 = arith.constant 0 : i32
      %dma_wait3A_176 = arith.constant 0 : i32
      %dma_wait3A_177 = tpu.memref_slice %arg24[%dma_wait3A_175, %dma_wait3A_176] : memref<400x128xf32, #tpu.memory_space<vmem_shared>> -> memref<400x128xf32, #tpu.memory_space<vmem_shared>>
      tpu.wait_indirect_dma semaphore(%arg35 : memref<!tpu.dma_semaphore, #tpu.memory_space<semaphore_mem>>) src(%dma_wait3A_177 : memref<400x128xf32, #tpu.memory_space<vmem_shared>>) dst(%arg21 : memref<64x128xf32, #tpu.memory_space<vmem>>)
      %dma_wait3A_178 = tpu.memref_slice %arg10[%multiple_of3A_173] : memref<2048xi32, #tpu.memory_space<vmem>> -> memref<64xi32, #tpu.memory_space<vmem>>
      %dma_wait3A_179 = arith.constant 0 : i32
      %dma_wait3A_180 = arith.constant 0 : i32
      %dma_wait3A_181 = tpu.memref_slice %arg25[%dma_wait3A_179, %dma_wait3A_180] : memref<512x128xf32, #tpu.memory_space<vmem_shared>> -> memref<512x128xf32, #tpu.memory_space<vmem_shared>>
      tpu.wait_indirect_dma semaphore(%arg36 : memref<!tpu.dma_semaphore, #tpu.memory_space<semaphore_mem>>) src(%dma_wait3A_181 : memref<512x128xf32, #tpu.memory_space<vmem_shared>>) dst(%arg22 : memref<64x128xf32, #tpu.memory_space<vmem>>)
      %dma_wait3A_182 = tpu.memref_slice %arg11[%multiple_of3A_173] : memref<2048xi32, #tpu.memory_space<vmem>> -> memref<64xi32, #tpu.memory_space<vmem>>
      %dma_wait3A_183 = arith.constant 0 : i32
      %dma_wait3A_184 = arith.constant 0 : i32
      %dma_wait3A_185 = tpu.memref_slice %arg7[%dma_wait3A_183, %dma_wait3A_184] : memref<4096x128xf32, #tpu.memory_space<hbm>> -> memref<4096x128xf32, #tpu.memory_space<hbm>>
      tpu.wait_indirect_dma semaphore(%arg37 : memref<!tpu.dma_semaphore, #tpu.memory_space<semaphore_mem>>) src(%dma_wait3A_185 : memref<4096x128xf32, #tpu.memory_space<hbm>>) dst(%arg23 : memref<64x128xf32, #tpu.memory_space<vmem>>)
      %parallel_loop3A_186 = arith.constant 0 : i32
      %parallel_loop3A_187 = arith.constant 64 : i32
      %parallel_loop3A_188 = arith.constant 1 : i32
      scf.for %parallel_loop3A_207 = %parallel_loop3A_186 to %parallel_loop3A_187 step %parallel_loop3A_188  : i32 {
        %parallel_loop3A_208 = arith.index_cast %parallel_loop3A_207 : i32 to index
        %parallel_loop3A_209 = arith.constant 0 : index
        %parallel_loop3A_210 = tpu.vector_load %arg22[%parallel_loop3A_208, %parallel_loop3A_209] {strides = array<i32>} : memref<64x128xf32, #tpu.memory_space<vmem>>, vector<1x16xf32>,
        %parallel_loop3A_211 = vector.shape_cast %parallel_loop3A_210 : vector<1x16xf32> to vector<16xf32>
        %parallel_loop3A_212 = arith.index_cast %parallel_loop3A_207 : i32 to index
        %parallel_loop3A_213 = arith.constant 0 : index
        %parallel_loop3A_214 = tpu.vector_load %arg23[%parallel_loop3A_212, %parallel_loop3A_213] {strides = array<i32>} : memref<64x128xf32, #tpu.memory_space<vmem>>, vector<1x16xf32>,
        %parallel_loop3A_215 = vector.shape_cast %parallel_loop3A_214 : vector<1x16xf32> to vector<16xf32>
        %parallel_loop3A_216 = arith.addf %parallel_loop3A_211, %parallel_loop3A_215 : vector<16xf32>
        %parallel_loop3A_217 = arith.index_cast %parallel_loop3A_207 : i32 to index
        %parallel_loop3A_218 = arith.constant 0 : index
        %parallel_loop3A_219 = tpu.vector_load %arg21[%parallel_loop3A_217, %parallel_loop3A_218] {strides = array<i32>} : memref<64x128xf32, #tpu.memory_space<vmem>>, vector<1x16xf32>,
        %parallel_loop3A_220 = vector.shape_cast %parallel_loop3A_219 : vector<1x16xf32> to vector<16xf32>
        %parallel_loop3A_221 = vector.shape_cast %parallel_loop3A_216 : vector<16xf32> to vector<1x16xf32>
        tpu.vector_store %arg21[%parallel_loop3A_217, %parallel_loop3A_218], %parallel_loop3A_221 {add = true, strides = array<i32>} : memref<64x128xf32, #tpu.memory_space<vmem>>, vector<1x16xf32>,
        %parallel_loop3A_222 = arith.index_cast %parallel_loop3A_207 : i32 to index
        %parallel_loop3A_223 = arith.constant 16 : index
        %parallel_loop3A_224 = tpu.vector_load %arg22[%parallel_loop3A_222, %parallel_loop3A_223] {strides = array<i32>} : memref<64x128xf32, #tpu.memory_space<vmem>>, vector<1x16xf32>,
        %parallel_loop3A_225 = vector.shape_cast %parallel_loop3A_224 : vector<1x16xf32> to vector<16xf32>
        %parallel_loop3A_226 = arith.index_cast %parallel_loop3A_207 : i32 to index
        %parallel_loop3A_227 = arith.constant 16 : index
        %parallel_loop3A_228 = tpu.vector_load %arg23[%parallel_loop3A_226, %parallel_loop3A_227] {strides = array<i32>} : memref<64x128xf32, #tpu.memory_space<vmem>>, vector<1x16xf32>,
        %parallel_loop3A_229 = vector.shape_cast %parallel_loop3A_228 : vector<1x16xf32> to vector<16xf32>
        %parallel_loop3A_230 = arith.addf %parallel_loop3A_225, %parallel_loop3A_229 : vector<16xf32>
        %parallel_loop3A_231 = arith.index_cast %parallel_loop3A_207 : i32 to index
        %parallel_loop3A_232 = arith.constant 16 : index
        %parallel_loop3A_233 = tpu.vector_load %arg21[%parallel_loop3A_231, %parallel_loop3A_232] {strides = array<i32>} : memref<64x128xf32, #tpu.memory_space<vmem>>, vector<1x16xf32>,
        %parallel_loop3A_234 = vector.shape_cast %parallel_loop3A_233 : vector<1x16xf32> to vector<16xf32>
        %parallel_loop3A_235 = vector.shape_cast %parallel_loop3A_230 : vector<16xf32> to vector<1x16xf32>
        tpu.vector_store %arg21[%parallel_loop3A_231, %parallel_loop3A_232], %parallel_loop3A_235 {add = true, strides = array<i32>} : memref<64x128xf32, #tpu.memory_space<vmem>>, vector<1x16xf32>,
        %parallel_loop3A_236 = arith.index_cast %parallel_loop3A_207 : i32 to index
        %parallel_loop3A_237 = arith.constant 32 : index
        %parallel_loop3A_238 = tpu.vector_load %arg22[%parallel_loop3A_236, %parallel_loop3A_237] {strides = array<i32>} : memref<64x128xf32, #tpu.memory_space<vmem>>, vector<1x16xf32>,
        %parallel_loop3A_239 = vector.shape_cast %parallel_loop3A_238 : vector<1x16xf32> to vector<16xf32>
        %parallel_loop3A_240 = arith.index_cast %parallel_loop3A_207 : i32 to index
        %parallel_loop3A_241 = arith.constant 32 : index
        %parallel_loop3A_242 = tpu.vector_load %arg23[%parallel_loop3A_240, %parallel_loop3A_241] {strides = array<i32>} : memref<64x128xf32, #tpu.memory_space<vmem>>, vector<1x16xf32>,
        %parallel_loop3A_243 = vector.shape_cast %parallel_loop3A_242 : vector<1x16xf32> to vector<16xf32>
        %parallel_loop3A_244 = arith.addf %parallel_loop3A_239, %parallel_loop3A_243 : vector<16xf32>
        %parallel_loop3A_245 = arith.index_cast %parallel_loop3A_207 : i32 to index
        %parallel_loop3A_246 = arith.constant 32 : index
        %parallel_loop3A_247 = tpu.vector_load %arg21[%parallel_loop3A_245, %parallel_loop3A_246] {strides = array<i32>} : memref<64x128xf32, #tpu.memory_space<vmem>>, vector<1x16xf32>,
        %parallel_loop3A_248 = vector.shape_cast %parallel_loop3A_247 : vector<1x16xf32> to vector<16xf32>
        %parallel_loop3A_249 = vector.shape_cast %parallel_loop3A_244 : vector<16xf32> to vector<1x16xf32>
        tpu.vector_store %arg21[%parallel_loop3A_245, %parallel_loop3A_246], %parallel_loop3A_249 {add = true, strides = array<i32>} : memref<64x128xf32, #tpu.memory_space<vmem>>, vector<1x16xf32>,
        %parallel_loop3A_250 = arith.index_cast %parallel_loop3A_207 : i32 to index
        %parallel_loop3A_251 = arith.constant 48 : index
        %parallel_loop3A_252 = tpu.vector_load %arg22[%parallel_loop3A_250, %parallel_loop3A_251] {strides = array<i32>} : memref<64x128xf32, #tpu.memory_space<vmem>>, vector<1x16xf32>,
        %parallel_loop3A_253 = vector.shape_cast %parallel_loop3A_252 : vector<1x16xf32> to vector<16xf32>
        %parallel_loop3A_254 = arith.index_cast %parallel_loop3A_207 : i32 to index
        %parallel_loop3A_255 = arith.constant 48 : index
        %parallel_loop3A_256 = tpu.vector_load %arg23[%parallel_loop3A_254, %parallel_loop3A_255] {strides = array<i32>} : memref<64x128xf32, #tpu.memory_space<vmem>>, vector<1x16xf32>,
        %parallel_loop3A_257 = vector.shape_cast %parallel_loop3A_256 : vector<1x16xf32> to vector<16xf32>
        %parallel_loop3A_258 = arith.addf %parallel_loop3A_253, %parallel_loop3A_257 : vector<16xf32>
        %parallel_loop3A_259 = arith.index_cast %parallel_loop3A_207 : i32 to index
        %parallel_loop3A_260 = arith.constant 48 : index
        %parallel_loop3A_261 = tpu.vector_load %arg21[%parallel_loop3A_259, %parallel_loop3A_260] {strides = array<i32>} : memref<64x128xf32, #tpu.memory_space<vmem>>, vector<1x16xf32>,
        %parallel_loop3A_262 = vector.shape_cast %parallel_loop3A_261 : vector<1x16xf32> to vector<16xf32>
        %parallel_loop3A_263 = vector.shape_cast %parallel_loop3A_258 : vector<16xf32> to vector<1x16xf32>
        tpu.vector_store %arg21[%parallel_loop3A_259, %parallel_loop3A_260], %parallel_loop3A_263 {add = true, strides = array<i32>} : memref<64x128xf32, #tpu.memory_space<vmem>>, vector<1x16xf32>,
        %parallel_loop3A_264 = arith.index_cast %parallel_loop3A_207 : i32 to index
        %parallel_loop3A_265 = arith.constant 64 : index
        %parallel_loop3A_266 = tpu.vector_load %arg22[%parallel_loop3A_264, %parallel_loop3A_265] {strides = array<i32>} : memref<64x128xf32, #tpu.memory_space<vmem>>, vector<1x16xf32>,
        %parallel_loop3A_267 = vector.shape_cast %parallel_loop3A_266 : vector<1x16xf32> to vector<16xf32>
        %parallel_loop3A_268 = arith.index_cast %parallel_loop3A_207 : i32 to index
        %parallel_loop3A_269 = arith.constant 64 : index
        %parallel_loop3A_270 = tpu.vector_load %arg23[%parallel_loop3A_268, %parallel_loop3A_269] {strides = array<i32>} : memref<64x128xf32, #tpu.memory_space<vmem>>, vector<1x16xf32>,
        %parallel_loop3A_271 = vector.shape_cast %parallel_loop3A_270 : vector<1x16xf32> to vector<16xf32>
        %parallel_loop3A_272 = arith.addf %parallel_loop3A_267, %parallel_loop3A_271 : vector<16xf32>
        %parallel_loop3A_273 = arith.index_cast %parallel_loop3A_207 : i32 to index
        %parallel_loop3A_274 = arith.constant 64 : index
        %parallel_loop3A_275 = tpu.vector_load %arg21[%parallel_loop3A_273, %parallel_loop3A_274] {strides = array<i32>} : memref<64x128xf32, #tpu.memory_space<vmem>>, vector<1x16xf32>,
        %parallel_loop3A_276 = vector.shape_cast %parallel_loop3A_275 : vector<1x16xf32> to vector<16xf32>
        %parallel_loop3A_277 = vector.shape_cast %parallel_loop3A_272 : vector<16xf32> to vector<1x16xf32>
        tpu.vector_store %arg21[%parallel_loop3A_273, %parallel_loop3A_274], %parallel_loop3A_277 {add = true, strides = array<i32>} : memref<64x128xf32, #tpu.memory_space<vmem>>, vector<1x16xf32>,
        %parallel_loop3A_278 = arith.index_cast %parallel_loop3A_207 : i32 to index
        %parallel_loop3A_279 = arith.constant 80 : index
        %parallel_loop3A_280 = tpu.vector_load %arg22[%parallel_loop3A_278, %parallel_loop3A_279] {strides = array<i32>} : memref<64x128xf32, #tpu.memory_space<vmem>>, vector<1x16xf32>,
        %parallel_loop3A_281 = vector.shape_cast %parallel_loop3A_280 : vector<1x16xf32> to vector<16xf32>
        %parallel_loop3A_282 = arith.index_cast %parallel_loop3A_207 : i32 to index
        %parallel_loop3A_283 = arith.constant 80 : index
        %parallel_loop3A_284 = tpu.vector_load %arg23[%parallel_loop3A_282, %parallel_loop3A_283] {strides = array<i32>} : memref<64x128xf32, #tpu.memory_space<vmem>>, vector<1x16xf32>,
        %parallel_loop3A_285 = vector.shape_cast %parallel_loop3A_284 : vector<1x16xf32> to vector<16xf32>
        %parallel_loop3A_286 = arith.addf %parallel_loop3A_281, %parallel_loop3A_285 : vector<16xf32>
        %parallel_loop3A_287 = arith.index_cast %parallel_loop3A_207 : i32 to index
        %parallel_loop3A_288 = arith.constant 80 : index
        %parallel_loop3A_289 = tpu.vector_load %arg21[%parallel_loop3A_287, %parallel_loop3A_288] {strides = array<i32>} : memref<64x128xf32, #tpu.memory_space<vmem>>, vector<1x16xf32>,
        %parallel_loop3A_290 = vector.shape_cast %parallel_loop3A_289 : vector<1x16xf32> to vector<16xf32>
        %parallel_loop3A_291 = vector.shape_cast %parallel_loop3A_286 : vector<16xf32> to vector<1x16xf32>
        tpu.vector_store %arg21[%parallel_loop3A_287, %parallel_loop3A_288], %parallel_loop3A_291 {add = true, strides = array<i32>} : memref<64x128xf32, #tpu.memory_space<vmem>>, vector<1x16xf32>,
        %parallel_loop3A_292 = arith.index_cast %parallel_loop3A_207 : i32 to index
        %parallel_loop3A_293 = arith.constant 96 : index
        %parallel_loop3A_294 = tpu.vector_load %arg22[%parallel_loop3A_292, %parallel_loop3A_293] {strides = array<i32>} : memref<64x128xf32, #tpu.memory_space<vmem>>, vector<1x16xf32>,
        %parallel_loop3A_295 = vector.shape_cast %parallel_loop3A_294 : vector<1x16xf32> to vector<16xf32>
        %parallel_loop3A_296 = arith.index_cast %parallel_loop3A_207 : i32 to index
        %parallel_loop3A_297 = arith.constant 96 : index
        %parallel_loop3A_298 = tpu.vector_load %arg23[%parallel_loop3A_296, %parallel_loop3A_297] {strides = array<i32>} : memref<64x128xf32, #tpu.memory_space<vmem>>, vector<1x16xf32>,
        %parallel_loop3A_299 = vector.shape_cast %parallel_loop3A_298 : vector<1x16xf32> to vector<16xf32>
        %parallel_loop3A_300 = arith.addf %parallel_loop3A_295, %parallel_loop3A_299 : vector<16xf32>
        %parallel_loop3A_301 = arith.index_cast %parallel_loop3A_207 : i32 to index
        %parallel_loop3A_302 = arith.constant 96 : index
        %parallel_loop3A_303 = tpu.vector_load %arg21[%parallel_loop3A_301, %parallel_loop3A_302] {strides = array<i32>} : memref<64x128xf32, #tpu.memory_space<vmem>>, vector<1x16xf32>,
        %parallel_loop3A_304 = vector.shape_cast %parallel_loop3A_303 : vector<1x16xf32> to vector<16xf32>
        %parallel_loop3A_305 = vector.shape_cast %parallel_loop3A_300 : vector<16xf32> to vector<1x16xf32>
        tpu.vector_store %arg21[%parallel_loop3A_301, %parallel_loop3A_302], %parallel_loop3A_305 {add = true, strides = array<i32>} : memref<64x128xf32, #tpu.memory_space<vmem>>, vector<1x16xf32>,
        %parallel_loop3A_306 = arith.index_cast %parallel_loop3A_207 : i32 to index
        %parallel_loop3A_307 = arith.constant 112 : index
        %parallel_loop3A_308 = tpu.vector_load %arg22[%parallel_loop3A_306, %parallel_loop3A_307] {strides = array<i32>} : memref<64x128xf32, #tpu.memory_space<vmem>>, vector<1x16xf32>,
        %parallel_loop3A_309 = vector.shape_cast %parallel_loop3A_308 : vector<1x16xf32> to vector<16xf32>
        %parallel_loop3A_310 = arith.index_cast %parallel_loop3A_207 : i32 to index
        %parallel_loop3A_311 = arith.constant 112 : index
        %parallel_loop3A_312 = tpu.vector_load %arg23[%parallel_loop3A_310, %parallel_loop3A_311] {strides = array<i32>} : memref<64x128xf32, #tpu.memory_space<vmem>>, vector<1x16xf32>,
        %parallel_loop3A_313 = vector.shape_cast %parallel_loop3A_312 : vector<1x16xf32> to vector<16xf32>
        %parallel_loop3A_314 = arith.addf %parallel_loop3A_309, %parallel_loop3A_313 : vector<16xf32>
        %parallel_loop3A_315 = arith.index_cast %parallel_loop3A_207 : i32 to index
        %parallel_loop3A_316 = arith.constant 112 : index
        %parallel_loop3A_317 = tpu.vector_load %arg21[%parallel_loop3A_315, %parallel_loop3A_316] {strides = array<i32>} : memref<64x128xf32, #tpu.memory_space<vmem>>, vector<1x16xf32>,
        %parallel_loop3A_318 = vector.shape_cast %parallel_loop3A_317 : vector<1x16xf32> to vector<16xf32>
        %parallel_loop3A_319 = vector.shape_cast %parallel_loop3A_314 : vector<16xf32> to vector<1x16xf32>
        tpu.vector_store %arg21[%parallel_loop3A_315, %parallel_loop3A_316], %parallel_loop3A_319 {add = true, strides = array<i32>} : memref<64x128xf32, #tpu.memory_space<vmem>>, vector<1x16xf32>,
      } {sc.loop_unroll_factor = 4 : i64, sc.parallel_access}
      %mul3A_189 = arith.constant 64 : i32
      %mul3A_190 = arith.muli %add3A_170, %mul3A_189 : i32
      %multiple_of3A_191 = tpu.assume_multiple %mul3A_190, 64 : i32
      %add3A_192 = arith.addi %mul3A_2, %multiple_of3A_191 : i32
      %dma_start3A_193 = arith.constant 0 : i32
      %dma_start3A_194 = tpu.memref_slice %arg8[%add3A_192, %dma_start3A_193] : memref<65536x128xf32, #tpu.memory_space<hbm>> -> memref<64x128xf32, #tpu.memory_space<hbm>>
      %dma_start3A_195 = arith.constant 0 : i32
      %dma_start3A_196 = tpu.memref_slice %arg8[%add3A_192, %dma_start3A_195] : memref<65536x128xf32, #tpu.memory_space<hbm>> -> memref<64x128xf32, #tpu.memory_space<hbm>>
      tpu.enqueue_dma source(%arg21 : memref<64x128xf32, #tpu.memory_space<vmem>>) target(%dma_start3A_196 : memref<64x128xf32, #tpu.memory_space<hbm>>) target_semaphore(%arg41 : memref<!tpu.dma_semaphore, #tpu.memory_space<semaphore_mem>>)
      %ge3A_197 = arith.constant 2 : i32
      %ge3A_198 = arith.cmpi sge, %add3A_170, %ge3A_197 : i32
      %convert_element_type3A_199 = arith.extui %ge3A_198 : i1 to i32
      %cond3A_200 = arith.constant 0 : i32
      %cond3A_201 = arith.cmpi ne, %convert_element_type3A_199, %cond3A_200 : i32
      scf.if %cond3A_201 {
        %sub3A = arith.constant 2 : i32
        %sub3A_207 = arith.subi %add3A_170, %sub3A : i32
        %mul3A_208 = arith.constant 64 : i32
        %mul3A_209 = arith.muli %sub3A_207, %mul3A_208 : i32
        %multiple_of3A_210 = tpu.assume_multiple %mul3A_209, 64 : i32
        %add3A_211 = arith.addi %mul3A_2, %multiple_of3A_210 : i32
        %dma_wait3A_212 = arith.constant 0 : i32
        %dma_wait3A_213 = tpu.memref_slice %arg8[%add3A_211, %dma_wait3A_212] : memref<65536x128xf32, #tpu.memory_space<hbm>> -> memref<64x128xf32, #tpu.memory_space<hbm>>
        %dma_wait3A_214 = arith.constant 0 : i32
        %dma_wait3A_215 = tpu.memref_slice %arg8[%add3A_211, %dma_wait3A_214] : memref<65536x128xf32, #tpu.memory_space<hbm>> -> memref<64x128xf32, #tpu.memory_space<hbm>>
        tpu.wait_dma2 semaphore(%arg39 : memref<!tpu.dma_semaphore, #tpu.memory_space<semaphore_mem>>) src(%arg15 : memref<64x128xf32, #tpu.memory_space<vmem>>) dst(%dma_wait3A_215 : memref<64x128xf32, #tpu.memory_space<hbm>>)
      } else {
      }
      %le3A_202 = arith.constant 29 : i32
      %le3A_203 = arith.cmpi sle, %add3A_170, %le3A_202 : i32
      %convert_element_type3A_204 = arith.extui %le3A_203 : i1 to i32
      %cond3A_205 = arith.constant 0 : i32
      %cond3A_206 = arith.cmpi ne, %convert_element_type3A_204, %cond3A_205 : i32
      scf.if %cond3A_206 {
        %add3A_207 = arith.constant 2 : i32
        %add3A_208 = arith.addi %add3A_170, %add3A_207 : i32
        %mul3A_209 = arith.constant 64 : i32
        %mul3A_210 = arith.muli %add3A_208, %mul3A_209 : i32
        %multiple_of3A_211 = tpu.assume_multiple %mul3A_210, 64 : i32
        %dma_start3A_212 = tpu.memref_slice %arg9[%multiple_of3A_211] : memref<2048xi32, #tpu.memory_space<vmem>> -> memref<64xi32, #tpu.memory_space<vmem>>
        %dma_start3A_213 = arith.constant 0 : i32
        %dma_start3A_214 = arith.constant 0 : i32
        %dma_start3A_215 = tpu.memref_slice %arg24[%dma_start3A_213, %dma_start3A_214] : memref<400x128xf32, #tpu.memory_space<vmem_shared>> -> memref<400x128xf32, #tpu.memory_space<vmem_shared>>
        tpu.enqueue_indirect_dma source(%dma_start3A_215 : memref<400x128xf32, #tpu.memory_space<vmem_shared>>) target(%arg15 : memref<64x128xf32, #tpu.memory_space<vmem>>) offsets(%dma_start3A_212 : memref<64xi32, #tpu.memory_space<vmem>>) semaphore(%arg29 : memref<!tpu.dma_semaphore, #tpu.memory_space<semaphore_mem>>)
        %dma_start3A_216 = tpu.memref_slice %arg10[%multiple_of3A_211] : memref<2048xi32, #tpu.memory_space<vmem>> -> memref<64xi32, #tpu.memory_space<vmem>>
        %dma_start3A_217 = arith.constant 0 : i32
        %dma_start3A_218 = arith.constant 0 : i32
        %dma_start3A_219 = tpu.memref_slice %arg25[%dma_start3A_217, %dma_start3A_218] : memref<512x128xf32, #tpu.memory_space<vmem_shared>> -> memref<512x128xf32, #tpu.memory_space<vmem_shared>>
        tpu.enqueue_indirect_dma source(%dma_start3A_219 : memref<512x128xf32, #tpu.memory_space<vmem_shared>>) target(%arg16 : memref<64x128xf32, #tpu.memory_space<vmem>>) offsets(%dma_start3A_216 : memref<64xi32, #tpu.memory_space<vmem>>) semaphore(%arg30 : memref<!tpu.dma_semaphore, #tpu.memory_space<semaphore_mem>>)
        %dma_start3A_220 = tpu.memref_slice %arg11[%multiple_of3A_211] : memref<2048xi32, #tpu.memory_space<vmem>> -> memref<64xi32, #tpu.memory_space<vmem>>
        %dma_start3A_221 = arith.constant 0 : i32
        %dma_start3A_222 = arith.constant 0 : i32
        %dma_start3A_223 = tpu.memref_slice %arg7[%dma_start3A_221, %dma_start3A_222] : memref<4096x128xf32, #tpu.memory_space<hbm>> -> memref<4096x128xf32, #tpu.memory_space<hbm>>
        tpu.enqueue_indirect_dma source(%dma_start3A_223 : memref<4096x128xf32, #tpu.memory_space<hbm>>) target(%arg17 : memref<64x128xf32, #tpu.memory_space<vmem>>) offsets(%dma_start3A_220 : memref<64xi32, #tpu.memory_space<vmem>>) semaphore(%arg31 : memref<!tpu.dma_semaphore, #tpu.memory_space<semaphore_mem>>)
      } else {
      }
    }
    %scan3A_35 = arith.constant 8 : i32
    %multiple_of3A_36 = arith.constant 1920 : i32
    %multiple_of3A_37 = tpu.assume_multiple %multiple_of3A_36, 64 : i32
    %add3A_38 = arith.addi %mul3A_2, %multiple_of3A_37 : i32
    %dma_wait3A = arith.constant 0 : i32
    %dma_wait3A_39 = tpu.memref_slice %arg8[%add3A_38, %dma_wait3A] : memref<65536x128xf32, #tpu.memory_space<hbm>> -> memref<64x128xf32, #tpu.memory_space<hbm>>
    %dma_wait3A_40 = arith.constant 0 : i32
    %dma_wait3A_41 = tpu.memref_slice %arg8[%add3A_38, %dma_wait3A_40] : memref<65536x128xf32, #tpu.memory_space<hbm>> -> memref<64x128xf32, #tpu.memory_space<hbm>>
    tpu.wait_dma2 semaphore(%arg40 : memref<!tpu.dma_semaphore, #tpu.memory_space<semaphore_mem>>) src(%arg18 : memref<64x128xf32, #tpu.memory_space<vmem>>) dst(%dma_wait3A_41 : memref<64x128xf32, #tpu.memory_space<hbm>>)
    %multiple_of3A_42 = arith.constant 1984 : i32
    %multiple_of3A_43 = tpu.assume_multiple %multiple_of3A_42, 64 : i32
    %add3A_44 = arith.addi %mul3A_2, %multiple_of3A_43 : i32
    %dma_wait3A_45 = arith.constant 0 : i32
    %dma_wait3A_46 = tpu.memref_slice %arg8[%add3A_44, %dma_wait3A_45] : memref<65536x128xf32, #tpu.memory_space<hbm>> -> memref<64x128xf32, #tpu.memory_space<hbm>>
    %dma_wait3A_47 = arith.constant 0 : i32
    %dma_wait3A_48 = tpu.memref_slice %arg8[%add3A_44, %dma_wait3A_47] : memref<65536x128xf32, #tpu.memory_space<hbm>> -> memref<64x128xf32, #tpu.memory_space<hbm>>
    tpu.wait_dma2 semaphore(%arg41 : memref<!tpu.dma_semaphore, #tpu.memory_space<semaphore_mem>>) src(%arg21 : memref<64x128xf32, #tpu.memory_space<vmem>>) dst(%dma_wait3A_48 : memref<64x128xf32, #tpu.memory_space<hbm>>)
    return
  }
}

module attributes {stable_mosaic.version = 14 : i64} {
  func.func @_proj_body(%arg0: memref<56x128xf32, #tpu.memory_space<vmem>>, %arg1: memref<8x25xf32, #tpu.memory_space<vmem>>, %arg2: memref<32x25xf32, #tpu.memory_space<vmem>>, %arg3: memref<16x25xf32, #tpu.memory_space<vmem>>, %arg4: memref<4096x128xf32, #tpu.memory_space<vmem>>, %arg5: memref<128x128xf32, #tpu.memory_space<vmem>>, %arg6: memref<1x128xf32, #tpu.memory_space<vmem>>, %arg7: memref<65536xi32, #tpu.memory_space<vmem>>, %arg8: memref<65536xi32, #tpu.memory_space<vmem>>, %arg9: memref<65536xi32, #tpu.memory_space<vmem>>, %arg10: memref<65536xi32, #tpu.memory_space<vmem>>, %arg11: memref<400x128xf32, #tpu.memory_space<vmem>>, %arg12: memref<512x128xf32, #tpu.memory_space<vmem>>, %arg13: memref<4096x128xf32, #tpu.memory_space<vmem>>, %arg14: memref<65536xi32, #tpu.memory_space<vmem>>, %arg15: memref<65536xi32, #tpu.memory_space<vmem>>) attributes {dimension_semantics = [], scalar_prefetch = 0 : i64, scratch_operands = 0 : i64, tpu.core_type = #tpu.core_type<tc>} {
    %get3A = arith.constant 0 : index
    %get3A_0 = arith.constant 0 : index
    %get3A_1 = vector.load %arg5[%get3A, %get3A_0] : memref<128x128xf32, #tpu.memory_space<vmem>>, vector<128x128xf32>
    %get3A_2 = arith.constant 0 : index
    %get3A_3 = arith.constant 0 : index
    %get3A_4 = vector.load %arg0[%get3A_2, %get3A_3] : memref<56x128xf32, #tpu.memory_space<vmem>>, vector<56x128xf32>
    %slice3A = vector.extract_strided_slice %get3A_4 {offsets = [0, 0], sizes = [50, 25], strides = [1, 1]} : vector<56x128xf32> to vector<50x25xf32>
    %slice3A_5 = vector.extract_strided_slice %get3A_1 {offsets = [0, 0], sizes = [128, 25], strides = [1, 1]} : vector<128x128xf32> to vector<128x25xf32>
    %dot_general3A = arith.constant dense<0.000000e+00> : vector<50x128xf32>
    %dot_general3A_6 = tpu.matmul %slice3A, %slice3A_5, %dot_general3A {dimension_numbers = #tpu.dot_dimension_numbers<[1], [1], [0], [0], [0, 0, 1, 0], [], []>, transpose_lhs_hint = false} : vector<50x25xf32>, vector<128x25xf32>, vector<50x128xf32> -> vector<50x128xf32>
    %get3A_7 = arith.constant 0 : index
    %get3A_8 = arith.constant 0 : index
    %get3A_9 = vector.load %arg1[%get3A_7, %get3A_8] : memref<8x25xf32, #tpu.memory_space<vmem>>, vector<8x25xf32>
    %slice3A_10 = vector.extract_strided_slice %get3A_1 {offsets = [0, 25], sizes = [128, 25], strides = [1, 1]} : vector<128x128xf32> to vector<128x25xf32>
    %dot_general3A_11 = arith.constant dense<0.000000e+00> : vector<8x128xf32>
    %dot_general3A_12 = tpu.matmul %get3A_9, %slice3A_10, %dot_general3A_11 {dimension_numbers = #tpu.dot_dimension_numbers<[1], [1], [0], [0], [0, 0, 1, 0], [], []>, transpose_lhs_hint = false} : vector<8x25xf32>, vector<128x25xf32>, vector<8x128xf32> -> vector<8x128xf32>
    %get3A_13 = arith.constant 0 : index
    %get3A_14 = arith.constant 0 : index
    %get3A_15 = vector.load %arg2[%get3A_13, %get3A_14] : memref<32x25xf32, #tpu.memory_space<vmem>>, vector<32x25xf32>
    %slice3A_16 = vector.extract_strided_slice %get3A_1 {offsets = [0, 50], sizes = [128, 25], strides = [1, 1]} : vector<128x128xf32> to vector<128x25xf32>
    %dot_general3A_17 = arith.constant dense<0.000000e+00> : vector<32x128xf32>
    %dot_general3A_18 = tpu.matmul %get3A_15, %slice3A_16, %dot_general3A_17 {dimension_numbers = #tpu.dot_dimension_numbers<[1], [1], [0], [0], [0, 0, 1, 0], [], []>, transpose_lhs_hint = false} : vector<32x25xf32>, vector<128x25xf32>, vector<32x128xf32> -> vector<32x128xf32>
    %get3A_19 = arith.constant 0 : index
    %get3A_20 = arith.constant 0 : index
    %get3A_21 = vector.load %arg3[%get3A_19, %get3A_20] : memref<16x25xf32, #tpu.memory_space<vmem>>, vector<16x25xf32>
    %slice3A_22 = vector.extract_strided_slice %get3A_1 {offsets = [0, 75], sizes = [128, 25], strides = [1, 1]} : vector<128x128xf32> to vector<128x25xf32>
    %dot_general3A_23 = arith.constant dense<0.000000e+00> : vector<16x128xf32>
    %dot_general3A_24 = tpu.matmul %get3A_21, %slice3A_22, %dot_general3A_23 {dimension_numbers = #tpu.dot_dimension_numbers<[1], [1], [0], [0], [0, 0, 1, 0], [], []>, transpose_lhs_hint = false} : vector<16x25xf32>, vector<128x25xf32>, vector<16x128xf32> -> vector<16x128xf32>
    %broadcast_in_dim3A = vector.shape_cast %dot_general3A_6 : vector<50x128xf32> to vector<50x1x128xf32>
    %broadcast_in_dim3A_25 = vector.shape_cast %dot_general3A_12 : vector<8x128xf32> to vector<1x8x128xf32>
    %add3A = vector.broadcast %broadcast_in_dim3A : vector<50x1x128xf32> to vector<50x8x128xf32>
    %add3A_26 = vector.broadcast %broadcast_in_dim3A_25 : vector<1x8x128xf32> to vector<50x8x128xf32>
    %add3A_27 = arith.addf %add3A, %add3A_26 : vector<50x8x128xf32>
    %get3A_28 = arith.constant 0 : index
    %get3A_29 = arith.constant 0 : index
    %get3A_30 = vector.load %arg6[%get3A_28, %get3A_29] : memref<1x128xf32, #tpu.memory_space<vmem>>, vector<1x128xf32>
    %broadcast_in_dim3A_31 = vector.shape_cast %get3A_30 : vector<1x128xf32> to vector<1x1x1x128xf32>
    %broadcast_in_dim3A_32 = vector.shape_cast %add3A_27 : vector<50x8x128xf32> to vector<1x50x8x128xf32>
    %add3A_33 = vector.broadcast %broadcast_in_dim3A_31 : vector<1x1x1x128xf32> to vector<1x50x8x128xf32>
    %add3A_34 = arith.addf %broadcast_in_dim3A_32, %add3A_33 : vector<1x50x8x128xf32>
    %reshape3A = vector.shape_cast %add3A_34 : vector<1x50x8x128xf32> to vector<400x128xf32>
    %swap3A = arith.constant 0 : index
    %swap3A_35 = arith.constant 0 : index
    %swap3A_36 = vector.load %arg11[%swap3A, %swap3A_35] : memref<400x128xf32, #tpu.memory_space<vmem>>, vector<400x128xf32>
    tpu.vector_store %arg11[%swap3A, %swap3A_35], %reshape3A {strides = array<i32>} : memref<400x128xf32, #tpu.memory_space<vmem>>, vector<400x128xf32>,
    %broadcast_in_dim3A_37 = vector.shape_cast %dot_general3A_18 : vector<32x128xf32> to vector<32x1x128xf32>
    %broadcast_in_dim3A_38 = vector.shape_cast %dot_general3A_24 : vector<16x128xf32> to vector<1x16x128xf32>
    %add3A_39 = vector.broadcast %broadcast_in_dim3A_37 : vector<32x1x128xf32> to vector<32x16x128xf32>
    %add3A_40 = vector.broadcast %broadcast_in_dim3A_38 : vector<1x16x128xf32> to vector<32x16x128xf32>
    %add3A_41 = arith.addf %add3A_39, %add3A_40 : vector<32x16x128xf32>
    %reshape3A_42 = vector.shape_cast %add3A_41 : vector<32x16x128xf32> to vector<512x128xf32>
    %swap3A_43 = arith.constant 0 : index
    %swap3A_44 = arith.constant 0 : index
    %swap3A_45 = vector.load %arg12[%swap3A_43, %swap3A_44] : memref<512x128xf32, #tpu.memory_space<vmem>>, vector<512x128xf32>
    tpu.vector_store %arg12[%swap3A_43, %swap3A_44], %reshape3A_42 {strides = array<i32>} : memref<512x128xf32, #tpu.memory_space<vmem>>, vector<512x128xf32>,
    %get3A_46 = arith.constant 0 : index
    %get3A_47 = arith.constant 0 : index
    %get3A_48 = vector.load %arg4[%get3A_46, %get3A_47] : memref<4096x128xf32, #tpu.memory_space<vmem>>, vector<4096x128xf32>
    %slice3A_49 = vector.extract_strided_slice %get3A_48 {offsets = [0, 0], sizes = [4096, 28], strides = [1, 1]} : vector<4096x128xf32> to vector<4096x28xf32>
    %slice3A_50 = vector.extract_strided_slice %get3A_1 {offsets = [0, 100], sizes = [128, 28], strides = [1, 1]} : vector<128x128xf32> to vector<128x28xf32>
    %dot_general3A_51 = arith.constant dense<0.000000e+00> : vector<4096x128xf32>
    %dot_general3A_52 = tpu.matmul %slice3A_49, %slice3A_50, %dot_general3A_51 {dimension_numbers = #tpu.dot_dimension_numbers<[1], [1], [0], [0], [0, 0, 1, 0], [], []>, transpose_lhs_hint = false} : vector<4096x28xf32>, vector<128x28xf32>, vector<4096x128xf32> -> vector<4096x128xf32>
    %swap3A_53 = arith.constant 0 : index
    %swap3A_54 = arith.constant 0 : index
    %swap3A_55 = vector.load %arg13[%swap3A_53, %swap3A_54] : memref<4096x128xf32, #tpu.memory_space<vmem>>, vector<4096x128xf32>
    tpu.vector_store %arg13[%swap3A_53, %swap3A_54], %dot_general3A_52 {strides = array<i32>} : memref<4096x128xf32, #tpu.memory_space<vmem>>, vector<4096x128xf32>,
    %get3A_56 = arith.constant 0 : index
    %get3A_57 = vector.load %arg7[%get3A_56] : memref<65536xi32, #tpu.memory_space<vmem>>, vector<65536xi32>
    %mul3A = arith.constant 8 : i32
    %mul3A_58 = vector.broadcast %mul3A : i32 to vector<65536xi32>
    %mul3A_59 = arith.muli %get3A_57, %mul3A_58 : vector<65536xi32>
    %get3A_60 = arith.constant 0 : index
    %get3A_61 = vector.load %arg8[%get3A_60] : memref<65536xi32, #tpu.memory_space<vmem>>, vector<65536xi32>
    %add3A_62 = arith.addi %mul3A_59, %get3A_61 : vector<65536xi32>
    %swap3A_63 = arith.constant 0 : index
    %swap3A_64 = vector.load %arg14[%swap3A_63] : memref<65536xi32, #tpu.memory_space<vmem>>, vector<65536xi32>
    tpu.vector_store %arg14[%swap3A_63], %add3A_62 {strides = array<i32>} : memref<65536xi32, #tpu.memory_space<vmem>>, vector<65536xi32>,
    %get3A_65 = arith.constant 0 : index
    %get3A_66 = vector.load %arg9[%get3A_65] : memref<65536xi32, #tpu.memory_space<vmem>>, vector<65536xi32>
    %mul3A_67 = arith.constant 16 : i32
    %mul3A_68 = vector.broadcast %mul3A_67 : i32 to vector<65536xi32>
    %mul3A_69 = arith.muli %get3A_66, %mul3A_68 : vector<65536xi32>
    %get3A_70 = arith.constant 0 : index
    %get3A_71 = vector.load %arg10[%get3A_70] : memref<65536xi32, #tpu.memory_space<vmem>>, vector<65536xi32>
    %add3A_72 = arith.addi %mul3A_69, %get3A_71 : vector<65536xi32>
    %swap3A_73 = arith.constant 0 : index
    %swap3A_74 = vector.load %arg15[%swap3A_73] : memref<65536xi32, #tpu.memory_space<vmem>>, vector<65536xi32>
    tpu.vector_store %arg15[%swap3A_73], %add3A_72 {strides = array<i32>} : memref<65536xi32, #tpu.memory_space<vmem>>, vector<65536xi32>,
    return
  }
}

</mosaic_0001>

<sc_bundles>
// kernel: kernel.4.cloned.1.call-start
scs
__scs_entry_jumppad:
0x0: {  	(pc) =	sbr.rel $0x88, $3  }
0x1: {  	(tag) =	ssettag $0x0;
	lr =	simm.s32 $0x1  }
0x2: {  	[smem:$0x3F95] =	sst lr;
	_ =	strace $0xD0000000  }
0x3: {  	_ = 	snop  }
0x4: {  	_ = 	snop  }
0x5: {  	_ = 	snop  }
0x6: {  	_ = 	snop  }
0x7: {  	_ = 	snop  }
__scs_overlays_trampoline_lowered:
0x8: {  	[smem:$0x3FA4] =	sst s0  }
0x9: {  	[smem:$0x3FA5] =	sst s1  }
0xa: {  	[smem:$0x3FA6] =	sst s2  }
0xb: {  	[smem:$0x3FA7] =	sst s3  }
0xc: {  	[smem:$0x3FA8] =	sst s4  }
0xd: {  	[smem:$0x3FA9] =	sst s5  }
0xe: {  	[smem:$0x3FAA] =	sst s6  }
0xf: {  	[smem:$0x3FAB] =	sst s7  }
0x10: {  	[smem:$0x3FAC] =	sst s8  }
0x11: {  	[smem:$0x3FAD] =	sst s9;
	s0 =	simm.s32 @!p0 $0x0  }
0x12: {  	s1 =	sld [smem:$0x3F93];
	s0 =	simm.s32 @p0 $0x1  }
0x13: {  	[smem:$0x3FAE] =	sst s0;
	s0 =	simm.s32 @!p1 $0x0  }
0x14: {  	s2 =	sld [smem:$0x3F92];
	s0 =	simm.s32 @p1 $0x1  }
0x15: {  	[smem:$0x3FAF] =	sst s0;
	s0 =	simm.s32 @!p2 $0x0  }
0x16: {  	s3 =	sld [smem:$0x3FDB];
	s0 =	simm.s32 @p2 $0x1  }
0x17: {  	s4 =	simm.s32 $0x1BF5;
	[smem:$0x3FB1] =	sst s0  }
0x18: {  	s0 =	sld [smem:$0x3F94];
	_ =	swait.ge [sflag:s4], $0x0  }
0x19: {  	s7 =	sld [smem:$0x3F95]  }
0x1a: {  	s8 =	sadd.s32 $0xFFFFE003, lr  }
0x1b: {  	s9 =	sadd.s32 $0xFFFFFEF7, lr;
	s5 =	simm.s32 $0xFFFFFFFF;
	p2 =	slt.u32 s8, $0xFFFFF086  }
0x1c: {  	p1 =	slt.u32 s9, $0xF7A;
	s5 =	simm.s32 @!p2 $0x0  }
0x1d: {  	s5 =	simm.s32 @p1 $0x1;
	p0 =	seq.s32 s7, s2  }
0x1e: {  	s7 =	smul.u32 @!p0 $0xF7A, s2;
	p2 =	seq.s32 @!p0 s5, $0x0  }
0x1f: {  	s9 =	smul.u32 $0xF7A, s1;
	s8 =	simm.s32 @!p0 $0x1BF5;
	p2 =	por !p2, p0  }
0x20: {  	[sflag:s8] =	ssyncset.s32 @!p0 $0xFFFFF086;
	s6 =	sadd.s32 @!p0 s3, s7;
	s7 =	simm.s32 @!p0 $0x108  }
0x21: {  	s3 =	sadd.s32 s3, s9;
	s6 =	sadd.s32 @!p0 $0x88, s6;
	s7 =	simm.s32 @p2 $0x1082  }
0x22: {  	[simem:s7], [sflag:s8] =	dma.local @!p0 [hbm:s6], $0xF7A  }
0x23: {  	s9 =	sor.u32 $0xD0000000, s2;
	s6 =	simm.s32 $0x108;
	_ =	swait.ge @!p0 [sflag:s8], $0x0  }
0x24: {  	s3 =	sadd.s32 $0x88, s3;
	s6 =	simm.s32 @!p1 $0x1082;
	[sflag:s4] =	ssyncset.s32 $0xFFFFF086  }
0x25: {  	[simem:s6], [sflag:s4] =	dma.local [hbm:s3], $0xF7A  }
0x26: {  	[smem:$0x3F95] =	sst s1;
	(tag) =	ssettag s2;
	_ =	strace s9  }
0x27: {  	s1 =	sld [smem:$0x3FA5]  }
0x28: {  	s2 =	sld [smem:$0x3FA6]  }
0x29: {  	s4 =	sld [smem:$0x3FA8]  }
0x2a: {  	p0 =	seq.s32 s5, $0x0;
	s5 =	sld [smem:$0x3FA9]  }
0x2b: {  	s6 =	sld [smem:$0x3FAA]  }
0x2c: {  	s7 =	sld [smem:$0x3FAB]  }
0x2d: {  	s3 =	simm.s32 $0x108;
	s8 =	sld [smem:$0x3FAC]  }
0x2e: {  	s3 =	simm.s32 @!p0 $0x1082;
	s9 =	sld [smem:$0x3FAD]  }
0x2f: {  	lr =	sadd.s32 s0, s3;
	s0 =	sld [smem:$0x3FA4]  }
0x30: {  	s3 =	sld [smem:$0x3FA7]  }
0x31: {  	[smem:$0x3FB0] =	sst s10  }
0x32: {  	s10 =	sld [smem:$0x3FAE];
	_ =	sdelay $0x3  }
0x33: {  	p0 =	seq.s32 s10, $0x1;
	s10 =	sld [smem:$0x3FB0];
	_ =	sdelay $0x3  }
0x34: {  	[smem:$0x3FB0] =	sst s10  }
0x35: {  	s10 =	sld [smem:$0x3FAF];
	_ =	sdelay $0x3  }
0x36: {  	p1 =	seq.s32 s10, $0x1;
	s10 =	sld [smem:$0x3FB0];
	_ =	sdelay $0x3  }
0x37: {  	[smem:$0x3FB0] =	sst s10  }
0x38: {  	s10 =	sld [smem:$0x3FB1]  }
0x39: {  	_ = 	snop;
	(pc) =	sbr.ind lr, $3  }
0x3a: {  	_ = 	snop  }
0x3b: {  	_ = 	snop  }
0x3c: {  	p2 =	seq.s32 s10, $0x1;
	s10 =	sld [smem:$0x3FB0]  }
0x3d: {  	_ =	shalt  }
0x3e: {  	_ =	shalt  }
0x3f: {  	_ =	shalt  }
0x40: {  	_ =	shalt  }
0x41: {  	_ =	shalt  }
0x42: {  	_ =	shalt  }
0x43: {  	_ =	shalt  }
0x44: {  	_ =	shalt  }
0x45: {  	_ =	shalt  }
0x46: {  	_ =	shalt  }
0x47: {  	_ =	shalt  }
0x48: {  	_ =	shalt  }
0x49: {  	_ =	shalt  }
0x4a: {  	_ =	shalt  }
0x4b: {  	_ =	shalt  }
0x4c: {  	_ =	shalt  }
0x4d: {  	_ =	shalt  }
0x4e: {  	_ =	shalt  }
0x4f: {  	_ =	shalt  }
0x50: {  	_ =	shalt  }
0x51: {  	_ =	shalt  }
0x52: {  	_ =	shalt  }
0x53: {  	_ =	shalt  }
0x54: {  	_ =	shalt  }
0x55: {  	_ =	shalt  }
0x56: {  	_ =	shalt  }
0x57: {  	_ =	shalt  }
0x58: {  	_ =	shalt  }
0x59: {  	_ =	shalt  }
0x5a: {  	_ =	shalt  }
0x5b: {  	_ =	shalt  }
0x5c: {  	_ =	shalt  }
0x5d: {  	_ =	shalt  }
0x5e: {  	_ =	shalt  }
0x5f: {  	_ =	shalt  }
0x60: {  	_ =	shalt  }
0x61: {  	_ =	shalt  }
0x62: {  	_ =	shalt  }
0x63: {  	_ =	shalt  }
0x64: {  	_ =	shalt  }
0x65: {  	_ =	shalt  }
0x66: {  	_ =	shalt  }
0x67: {  	_ =	shalt  }
0x68: {  	_ =	shalt  }
0x69: {  	_ =	shalt  }
0x6a: {  	_ =	shalt  }
0x6b: {  	_ =	shalt  }
0x6c: {  	_ =	shalt  }
0x6d: {  	_ =	shalt  }
0x6e: {  	_ =	shalt  }
0x6f: {  	_ =	shalt  }
0x70: {  	_ =	shalt  }
0x71: {  	_ =	shalt  }
0x72: {  	_ =	shalt  }
0x73: {  	_ =	shalt  }
0x74: {  	_ =	shalt  }
0x75: {  	_ =	shalt  }
0x76: {  	_ =	shalt  }
0x77: {  	_ =	shalt  }
0x78: {  	_ =	shalt  }
0x79: {  	_ =	shalt  }
0x7a: {  	_ =	shalt  }
0x7b: {  	_ =	shalt  }
0x7c: {  	_ =	shalt  }
0x7d: {  	_ =	shalt  }
0x7e: {  	_ =	shalt  }
0x7f: {  	_ =	shalt  }
0x80: {  	_ =	shalt  }
0x81: {  	_ =	shalt  }
0x82: {  	_ =	shalt  }
0x83: {  	_ =	shalt  }
0x84: {  	_ =	shalt  }
0x85: {  	_ =	shalt  }
0x86: {  	_ =	shalt  }
0x87: {  	_ =	shalt  }
.Lfunc_end0:
.L_simem_size_0:
called_computation_lowered:
.L_overlay_start_0:
0x88: {  	s2 =	sld [smem:$0x3FD9]  }
0x89: {  	s3 =	sld [smem:$0x3FFE];
	_ =	sdelay $0x1  }
0x8a: {  	s1 =	srdreg.scid  }
0x8b: {  	s0 =	sand.u32 $0x1, s1  }
0x8c: {  	s17 =	sshll.u32 s0, $0xA;
	s2 =	sadd.s32 s3, s2  }
0x8d: {  	s2 =	sadd.s32 s2, s17  }
0x8e: {  	[smem:$0x3FBC] =	sst s2  }
0x8f: {  	_ = 	snop  }
0x90: {  	s2 =	sld [smem:$0x3FC5]  }
0x91: {  	s18 =	sld [smem:$0x3FD0];
	(tm) =	ssettm $0x1  }
0x92: {  	s4 =	sld [smem:$0x3FFB];
	_ =	sdelay $0x3  }
0x93: {  	_ =	strace s4  }
0x94: {  	s4 =	sld [smem:$0x3FFC];
	_ =	sdelay $0x3  }
0x95: {  	_ =	strace s4  }
0x96: {  	s4 =	sld [smem:$0x3FFD];
	_ =	sdelay $0x3  }
0x97: {  	_ =	strace s4  }
0x98: {  	_ =	strace $0x8FFFFFFF  }
0x99: {  	s19 =	sld [smem:$0x3FDB];
	_ =	sdelay $0x1  }
0x9a: {  	s5 =	simm.s32 $_scs_section_size  }
0x9b: {  	s6 =	simm.s32 $_size__tile_overlayer_lowered;
	s7 =	simm.s32 $_tile_overlayer_lowered  }
0x9c: {  	s22 =	simm.s32 $0x1BFF;
	s21 =	sshll.u32 s7, $0x1;
	s4 =	sadd.s32 s5, s19  }
0x9d: {  	s8 =	simm.s32 $0x0;
	s20 =	sshll.u32 s6, $0x1;
	s6 =	sadd.s32 s21, s4  }
0x9e: {  	[timem:s8], [sflag:s22] =	dma.local [hbm:s6], s20  }
0x9f: {  	_ =	swait.ge [sflag:s22], s20  }
0xa0: {  	s5 =	ssub.s32 $0x0, s20;
	[sflag:s22] =	ssyncset.done $0x0  }
0xa1: {  	[sflag:s22] =	ssyncadd.s32 s5;
	_ =	sdelay $0x1  }
0xa2: {  	s23 =	simm.s32 $0x1B8B  }
0xa3: {  	_ =	swait.ge [sflag:s23], $0x1  }
0xa4: {  	[sflag:s23] =	ssyncset.done $0x0  }
0xa5: {  	s25 =	simm.s32 $0x1B8E;
	s24 =	sld [smem:$0x3FFE];
	[sflag:s23] =	ssyncadd.s32 $0xFFFFFFFF  }
0xa6: {  	s26 =	simm.s32 $execute0_lowered;
	[smem:$0x3FD2] =	sst s25  }
0xa7: {  	s6 =	sshll.u32 s26, $0x1;
	_ =	strace $0x80000046;
	[dreg:$0x1] =	wrdreg $0xFFFFFFFF  }
0xa8: {  	s28 =	simm.s32 $_size_execute0_lowered;
	s4 =	sadd.s32 s4, s6;
	[dreg:$0x0] =	wrdreg $0x0  }
0xa9: {  	s6 =	sshll.u32 s28, $0x1;
	[dreg:$0x2] =	wrdreg s4  }
0xaa: {  	[dreg:$0x3] =	wrdreg s6  }
0xab: {  	[dreg:$0x4] =	wrdreg $0xC0  }
0xac: {  	_ =	task [dreg:s8], $0x5FFFF  }
0xad: {  	[dreg:$0x1] =	wrdreg $0xFFFFFFFF  }
0xae: {  	[dreg:$0x0] =	wrdreg $0x60  }
0xaf: {  	[dreg:$0x2] =	wrdreg s24  }
0xb0: {  	[dreg:$0x3] =	wrdreg s2  }
0xb1: {  	[dreg:$0x4] =	wrdreg s18  }
0xb2: {  	[dreg:$0x5] =	wrdreg $0x198000  }
0xb3: {  	[dreg:$0x6] =	wrdreg $0x1A4800  }
0xb4: {  	[dreg:$0x7] =	wrdreg $0x9  }
0xb5: {  	_ =	task.clear_ibuf [dreg:s8], $0x8FFFF;
	_ =	strace $0x90000046  }
0xb6: {  	s29 =	simm.s32 $0x9;
	_ =	strace $0x80000048  }
0xb7: {  	_ =	swait.ge [sflag:s29], $0x1  }
0xb8: {  	[sflag:s29] =	ssyncadd.s32 $0xFFFFFFFF  }
0xb9: {  	_ =	strace $0x90000048  }
0xba: {  	_ =	sfence  }
0xbb: {  	s30 =	sld [smem:$0x0];
	_ =	sdelay $0x2  }
0xbc: {  	s31 =	sshll.u32 s1, $0xD;
	s1 =	sshrl.u32 s1, $0x2  }
0xbd: {  	s3 =	sand.u32 $0x4000, s31;
	s1 =	sadd.s32 s1, s30  }
0xbe: {  	s0 =	sor.u32 s3, s0;
	s1 =	sshll.u32 s1, $0x11  }
0xbf: {  	s0 =	sor.u32 s1, s0  }
0xc0: {  	s0 =	sadd.s32 $0x8F2B, s0  }
0xc1: {  	[sflag:s0] =	ssyncadd.remote.s32 $0x1  }
0xc2: {  	_ =	sfence.sel $0xFFFF  }
0xc3: {  	[dreg:$0x0] =	wrdreg $0xFFFFFFFF;
	(pc) =	sbr.abs _section_cstart, $3  }
0xc4: {  	[dreg:$0x1] =	wrdreg $0xFFFFFFFF  }
0xc5: {  	_ =	task.clear_ibuf [dreg:s8], $0x2FFFF;
	_ =	strace $0x9FFFFFFF  }
0xc6: {  	(tm) =	ssettm $0x7FFFFFFF  }
0xc7: {  	_ =	shalt  }
tec
execute0_lowered:
.L_overlay_start_1:
0x0: {  	(tag) =	ssettag $0x1  }
0x1: {  	s0 =	rddreg [dreg:$0x0]  }
0x2: {  	s1 =	rddreg [dreg:$0x1]  }
0x3: {  	s13 =	rddreg [dreg:$0x2]  }
0x4: {  	s2 =	rddreg [dreg:$0x3]  }
0x5: {  	s3 =	rddreg [dreg:$0x4]  }
0x6: {  	s4 =	srdreg.scid;
	s5 =	stileid.u32  }
0x7: {  	s20 =	simm.s32 $0x40;
	s30 =	simm.s32 $0x1;
	s31 =	simm.s32 $0x2  }
0x8: {  	s28 =	simm.s32 $0x5;
	s29 =	simm.s32 $0x6;
	s18 =	simm.s32 $0x13800  }
0x9: {  	s14 =	simm.s32 $0xA;
	s15 =	simm.s32 $0xB;
	s16 =	simm.s32 $0xC  }
0xa: {  	s17 =	simm.s32 $0xE;
	s19 =	simm.s32 $0x0;
	s6 =	sand.u32 $0x1, s4  }
0xb: {  	s4 =	simm.s32 $0x0;
	s7 =	sshll.u32 s5, $0xC;
	s22 =	sadd.s32 $0x18200, s0  }
0xc: {  	s23 =	sadd.s32 $0x14200, s0;
	s12 =	sadd.s32 $0x400, s13;
	p0 =	sne.s32 s5, $0x0  }
0xd: {  	s8 =	sshll.u32 s6, $0xB;
	[smem:$0x7FF] =	sst s4;
	s6 =	ssub.s32 $0x2, s6  }
0xe: {  	s8 =	sor.u32 s8, s7;
	_ =	strace $0x80000047;
	[dreg:$0x6] =	wrdreg s22  }
0xf: {  	s11 =	sshrl.u32 s6, $0x1;
	[dreg:$0x7] =	wrdreg s23;
	s7 =	sadd.s32 $0x2200, s0  }
0x10: {  	s22 =	simm.s32 $0xD800;
	s9 =	sshrl.u32 s8, $0x3;
	s24 =	ssub.s32 s6, s11  }
0x11: {  	s11 =	sshll.u32 s8, $0x4;
	s6 =	simm.s32 $0x7;
	s1 =	sadd.s32 s1, s9  }
0x12: {  	s10 =	sadd.s32 s9, s0;
	s0 =	smax.u32 s24, $0x1;
	[dreg:$0xa] =	wrdreg s1  }
0x13: {  	s8 =	simm.s32 $0x8;
	s25 =	sadd.s32 $0x12200, s10;
	[dreg:$0xb] =	wrdreg s0  }
0x14: {  	s13 =	sadd.s32 s13, s11;
	s26 =	sadd.s32 $0x16200, s10;
	[dreg:$0x8] =	wrdreg s25  }
0x15: {  	s9 =	simm.s32 $0x9;
	s0 =	sshrl.u32 @!p0 s2, $0x3;
	[dreg:$0x9] =	wrdreg s26  }
0x16: {  	s10 =	simm.s32 $0xD;
	[dreg:$0xc] =	wrdreg s0;
	s0 =	sshrl.u32 @!p0 s3, $0x3  }
0x17: {  	s26 =	simm.s32 $0x4;
	[dreg:$0xd] =	wrdreg s0;
	s0 =	simm.s32 $0x3  }
.LBB2_1:
0x18: {  	[dreg:$0xe] =	wrdreg s19  }
0x19: {  	s5 =	rddreg [dreg:$0x6]  }
0x1a: {  	s1 =	simm.s32 @!p0 $0x1C11;
	s19 =	rddreg [dreg:$0xc]  }
0x1b: {  	[spmem:s19], [sflag:s1] =	dma.local @!p0 [hbm:s5], $0x1900  }
0x1c: {  	s5 =	simm.s32 @!p0 $0x11  }
0x1d: {  	_ =	swait.ge @!p0 [sflag:s5], $0x1900  }
0x1e: {  	[sflag:s5] =	ssyncset.done @!p0 $0x0;
	s19 =	rddreg [dreg:$0x7]  }
0x1f: {  	s21 =	rddreg [dreg:$0xd];
	[sflag:s5] =	ssyncadd.s32 @!p0 $0xFFFFE700  }
0x20: {  	[spmem:s21], [sflag:s1] =	dma.local @!p0 [hbm:s19], $0x2000  }
0x21: {  	_ =	swait.ge @!p0 [sflag:s5], $0x2000  }
0x22: {  	[sflag:s5] =	ssyncset.done @!p0 $0x0  }
0x23: {  	s24 =	simm.s32 $0x11;
	s23 =	rddreg [dreg:$0x8];
	[sflag:s5] =	ssyncadd.s32 @!p0 $0xFFFFE000  }
0x24: {  	[tilespmem:s4], [sflag:$0x11] =	stream.linear.gather [hbm4b:s23+s4], $0x800, $0x38;
	[tilespmem:$0x1B480] =	vst v63  }
0x25: {  	_ =	swait.ge [sflag:s24], $0x800  }
0x26: {  	[sflag:s24] =	ssyncset.done $0x0  }
0x27: {  	s19 =	simm.s32 $0x800;
	s25 =	rddreg [dreg:$0x9];
	[sflag:s24] =	ssyncadd.s32 $0xFFFFF800  }
0x28: {  	[tilespmem:s19], [sflag:$0x11] =	stream.linear.gather [hbm4b:s25+s4], $0x800, $0x38;
	[tilespmem:$0x1B480] =	vst v63  }
0x29: {  	_ =	swait.ge [sflag:s24], $0x800  }
0x2a: {  	[sflag:s24] =	ssyncset.done $0x0  }
0x2b: {  	s23 =	simm.s32 $0x1000;
	s21 =	rddreg [dreg:$0xa];
	[sflag:s24] =	ssyncadd.s32 $0xFFFFF800  }
0x2c: {  	[tilespmem:s23], [sflag:$0x11] =	stream.linear.gather [hbm4b:s21+s4], $0x800, $0x38;
	[tilespmem:$0x1B480] =	vst v63  }
0x2d: {  	_ =	swait.ge [sflag:s24], $0x800  }
0x2e: {  	[sflag:s24] =	ssyncset.done $0x0  }
0x2f: {  	[sflag:s24] =	ssyncadd.s32 $0xFFFFF800  }
0x30: {  	s24 =	simm.s32 $0x1800;
	[bflag:$0x0] =	sbarrier.arrive $0xFFFF  }
0x31: {  	[tilespmem:s24], [sflag:$0x1] =	stream.indirect.gather [spmem:s2], $0x80, s4, s20, $0xb8;
	[tilespmem:$0x1B480] =	vst v63  }
0x32: {  	s25 =	simm.s32 $0x3800  }
0x33: {  	[tilespmem:s25], [sflag:$0x2] =	stream.indirect.gather [spmem:s3], $0x80, s19, s20, $0xb8;
	[tilespmem:$0x1B480] =	vst v63  }
0x34: {  	s5 =	simm.s32 $0x5800  }
0x35: {  	[tilespmem:s5], [sflag:$0x3] =	stream.indirect.gather [hbm4b:s7+s20], $0x80, s23, s20, $0xb8;
	[tilespmem:$0x1B480] =	vst v63  }
0x36: {  	s19 =	simm.s32 $0x7800  }
0x37: {  	[tilespmem:s19], [sflag:$0x4] =	stream.indirect.gather [spmem:s2], $0x80, s20, s20, $0xb8;
	[tilespmem:$0x1B480] =	vst v63  }
0x38: {  	s21 =	simm.s32 $0x840;
	s23 =	simm.s32 $0x9800  }
0x39: {  	[tilespmem:s23], [sflag:$0x5] =	stream.indirect.gather [spmem:s3], $0x80, s21, s20, $0xb8;
	[tilespmem:$0x1B480] =	vst v63  }
0x3a: {  	s1 =	simm.s32 $0x0;
	s24 =	simm.s32 $0x1040;
	s25 =	simm.s32 $0xB800  }
0x3b: {  	[tilespmem:s25], [sflag:$0x6] =	stream.indirect.gather [hbm4b:s7+s20], $0x80, s24, s20, $0xb8;
	[tilespmem:$0x1B480] =	vst v63  }
.LBB2_2:
0x3c: {  	_ =	swait.ge [sflag:s30], $0x2000  }
0x3d: {  	[sflag:s30] =	ssyncset.done $0x0  }
0x3e: {  	[sflag:s30] =	ssyncadd.s32 $0xFFFFE000  }
0x3f: {  	_ =	swait.ge [sflag:s31], $0x2000  }
0x40: {  	[sflag:s31] =	ssyncset.done $0x0  }
0x41: {  	[sflag:s31] =	ssyncadd.s32 $0xFFFFE000  }
0x42: {  	_ =	swait.ge [sflag:s0], $0x2000  }
0x43: {  	[sflag:s0] =	ssyncset.done $0x0  }
0x44: {  	s23 =	simm.s32 $0x0;
	[sflag:s0] =	ssyncadd.s32 $0xFFFFE000  }
0x45: {  	v0 =	vld [tilespmem:s23+$0x39F0]  }
0x46: {  	v1 =	vld [tilespmem:s23+$0x59F0]  }
0x47: {  	v2 =	vld [tilespmem:s23+$0x3800]  }
0x48: {  	v3 =	vld [tilespmem:s23+$0x5800]  }
0x49: {  	v4 =	vld [tilespmem:s23+$0x3810]  }
0x4a: {  	v5 =	vld [tilespmem:s23+$0x5810]  }
0x4b: {  	v6 =	vld [tilespmem:s23+$0x3820]  }
0x4c: {  	v7 =	vld [tilespmem:s23+$0x5830]  }
0x4d: {  	v8 =	vld [tilespmem:s23+$0x3840]  }
0x4e: {  	v9 =	vld [tilespmem:s23+$0x5840]  }
0x4f: {  	v10 =	vld [tilespmem:s23+$0x3850]  }
0x50: {  	v11 =	vld [tilespmem:s23+$0x5850]  }
0x51: {  	v12 =	vld [tilespmem:s23+$0x3860]  }
0x52: {  	v13 =	vld [tilespmem:s23+$0x5860]  }
0x53: {  	v14 =	vld [tilespmem:s23+$0x3870]  }
0x54: {  	v15 =	vld [tilespmem:s23+$0x5870]  }
0x55: {  	v16 =	vld [tilespmem:s23+$0x3880]  }
0x56: {  	v17 =	vld [tilespmem:s23+$0x5880]  }
0x57: {  	v18 =	vld [tilespmem:s23+$0x3890]  }
0x58: {  	v19 =	vld [tilespmem:s23+$0x5890]  }
0x59: {  	v20 =	vld [tilespmem:s23+$0x38A0]  }
0x5a: {  	v21 =	vld [tilespmem:s23+$0x58A0]  }
0x5b: {  	v22 =	vld [tilespmem:s23+$0x38B0]  }
0x5c: {  	v23 =	vld [tilespmem:s23+$0x58B0]  }
0x5d: {  	v24 =	vld [tilespmem:s23+$0x38C0]  }
0x5e: {  	v25 =	vld [tilespmem:s23+$0x58C0]  }
0x5f: {  	v26 =	vld [tilespmem:s23+$0x38D0]  }
0x60: {  	v27 =	vld [tilespmem:s23+$0x58D0]  }
0x61: {  	v28 =	vld [tilespmem:s23+$0x38E0]  }
0x62: {  	v29 =	vld [tilespmem:s23+$0x58E0]  }
0x63: {  	v30 =	vld [tilespmem:s23+$0x38F0]  }
0x64: {  	v31 =	vld [tilespmem:s23+$0x58F0]  }
0x65: {  	v32 =	vld [tilespmem:s23+$0x3900]  }
0x66: {  	v33 =	vld [tilespmem:s23+$0x5900]  }
0x67: {  	v34 =	vld [tilespmem:s23+$0x3910]  }
0x68: {  	v35 =	vld [tilespmem:s23+$0x5910]  }
0x69: {  	v36 =	vld [tilespmem:s23+$0x3920]  }
0x6a: {  	v37 =	vld [tilespmem:s23+$0x5920]  }
0x6b: {  	v38 =	vld [tilespmem:s23+$0x3930]  }
0x6c: {  	v39 =	vld [tilespmem:s23+$0x5930]  }
0x6d: {  	v40 =	vld [tilespmem:s23+$0x3940]  }
0x6e: {  	v41 =	vld [tilespmem:s23+$0x5940]  }
0x6f: {  	v42 =	vld [tilespmem:s23+$0x3950]  }
0x70: {  	v43 =	vld [tilespmem:s23+$0x5950]  }
0x71: {  	v44 =	vld [tilespmem:s23+$0x3960]  }
0x72: {  	v45 =	vld [tilespmem:s23+$0x3970]  }
0x73: {  	v47 =	vld [tilespmem:s23+$0x39C0]  }
0x74: {  	v49 =	vld [tilespmem:s23+$0x59C0]  }
0x75: {  	v51 =	vld [tilespmem:s23+$0x39D0]  }
0x76: {  	v52 =	vld [tilespmem:s23+$0x59D0]  }
0x77: {  	v54 =	vld [tilespmem:s23+$0x39E0]  }
0x78: {  	v56 =	vld [tilespmem:s23+$0x59E0]  }
0x79: {  	v0 =	vadd.f32 v1, v0;
	v1 =	vld [tilespmem:s23+$0x5820]  }
0x7a: {  	v2 =	vadd.f32 v3, v2;
	v3 =	vld [tilespmem:s23+$0x5960]  }
0x7b: {  	v4 =	vadd.f32 v5, v4;
	v5 =	vld [tilespmem:s23+$0x5990]  }
0x7c: {  	v9 =	vadd.f32 v9, v8;
	v8 =	vld [tilespmem:s23+$0x39B0]  }
0x7d: {  	[tilespmem:s23+$0x19F0] =	vst.add.f32.msk $0xffff, v0  }
0x7e: {  	v0 =	vld [tilespmem:s23+$0x3830]  }
0x7f: {  	[tilespmem:s23+$0x1800] =	vst.add.f32.msk $0xffff, v2  }
0x80: {  	v2 =	vld [tilespmem:s23+$0x5970]  }
0x81: {  	[tilespmem:s23+$0x1810] =	vst.add.f32.msk $0xffff, v4  }
0x82: {  	v11 =	vadd.f32 v11, v10;
	v4 =	vld [tilespmem:s23+$0x3980]  }
0x83: {  	v13 =	vadd.f32 v13, v12;
	[tilespmem:s23+$0x1840] =	vst.add.f32.msk $0xffff, v9  }
0x84: {  	v15 =	vadd.f32 v15, v14;
	[tilespmem:s23+$0x1850] =	vst.add.f32.msk $0xffff, v11  }
0x85: {  	v17 =	vadd.f32 v17, v16;
	[tilespmem:s23+$0x1860] =	vst.add.f32.msk $0xffff, v13  }
0x86: {  	[tilespmem:s23+$0x1870] =	vst.add.f32.msk $0xffff, v15  }
0x87: {  	v19 =	vadd.f32 v19, v18;
	[tilespmem:s23+$0x1880] =	vst.add.f32.msk $0xffff, v17  }
0x88: {  	v46 =	vadd.f32 v21, v20;
	v9 =	vld [tilespmem:s23+$0x59B0]  }
0x89: {  	v48 =	vadd.f32 v23, v22;
	[tilespmem:s23+$0x1890] =	vst.add.f32.msk $0xffff, v19  }
0x8a: {  	v50 =	vadd.f32 v25, v24;
	[tilespmem:s23+$0x18A0] =	vst.add.f32.msk $0xffff, v46  }
0x8b: {  	v53 =	vadd.f32 v27, v26;
	[tilespmem:s23+$0x18B0] =	vst.add.f32.msk $0xffff, v48  }
0x8c: {  	v55 =	vadd.f32 v29, v28;
	[tilespmem:s23+$0x18C0] =	vst.add.f32.msk $0xffff, v50  }
0x8d: {  	v57 =	vadd.f32 v31, v30;
	[tilespmem:s23+$0x18D0] =	vst.add.f32.msk $0xffff, v53  }
0x8e: {  	v58 =	vadd.f32 v33, v32;
	[tilespmem:s23+$0x18E0] =	vst.add.f32.msk $0xffff, v55  }
0x8f: {  	v59 =	vadd.f32 v35, v34;
	[tilespmem:s23+$0x18F0] =	vst.add.f32.msk $0xffff, v57  }
0x90: {  	v60 =	vadd.f32 v37, v36;
	[tilespmem:s23+$0x1900] =	vst.add.f32.msk $0xffff, v58  }
0x91: {  	v61 =	vadd.f32 v39, v38;
	[tilespmem:s23+$0x1910] =	vst.add.f32.msk $0xffff, v59  }
0x92: {  	[tilespmem:s23+$0x1920] =	vst.add.f32.msk $0xffff, v60  }
0x93: {  	[tilespmem:s23+$0x1930] =	vst.add.f32.msk $0xffff, v61;
	v1 =	vadd.f32 v1, v6  }
0x94: {  	v6 =	vld [tilespmem:s23+$0x39A0]  }
0x95: {  	[tilespmem:s23+$0x1820] =	vst.add.f32.msk $0xffff, v1  }
0x96: {  	v0 =	vadd.f32 v7, v0;
	v1 =	vld [tilespmem:s23+$0x5980]  }
0x97: {  	v7 =	vld [tilespmem:s23+$0x59A0]  }
0x98: {  	v62 =	vadd.f32 v41, v40;
	[tilespmem:s23+$0x1830] =	vst.add.f32.msk $0xffff, v0  }
0x99: {  	v63 =	vadd.f32 v43, v42;
	v0 =	vld [tilespmem:s23+$0x3990]  }
0x9a: {  	[tilespmem:s23+$0x1940] =	vst.add.f32.msk $0xffff, v62;
	v3 =	vadd.f32 v3, v44  }
0x9b: {  	[tilespmem:s23+$0x1950] =	vst.add.f32.msk $0xffff, v63;
	v2 =	vadd.f32 v2, v45  }
0x9c: {  	[tilespmem:s23+$0x1960] =	vst.add.f32.msk $0xffff, v3;
	v1 =	vadd.f32 v1, v4  }
0x9d: {  	[tilespmem:s23+$0x1970] =	vst.add.f32.msk $0xffff, v2;
	v2 =	vadd.f32 v7, v6  }
0x9e: {  	v0 =	vadd.f32 v5, v0;
	[tilespmem:s23+$0x1980] =	vst.add.f32.msk $0xffff, v1  }
0x9f: {  	v1 =	vadd.f32 v9, v8;
	[tilespmem:s23+$0x19A0] =	vst.add.f32.msk $0xffff, v2  }
0xa0: {  	[tilespmem:s23+$0x1990] =	vst.add.f32.msk $0xffff, v0;
	v0 =	vadd.f32 v49, v47  }
0xa1: {  	v2 =	vadd.f32 v52, v51;
	[tilespmem:s23+$0x19B0] =	vst.add.f32.msk $0xffff, v1  }
0xa2: {  	[tilespmem:s23+$0x19C0] =	vst.add.f32.msk $0xffff, v0;
	v0 =	vadd.f32 v56, v54  }
0xa3: {  	s5 =	simm.s32 $0x0;
	s19 =	simm.s32 $0x800;
	[tilespmem:s23+$0x19D0] =	vst.add.f32.msk $0xffff, v2  }
.LBB2_3:
0xa4: {  	[tilespmem:s23+$0x19E0] =	vst.add.f32.msk $0xffff, v0;
	s23 =	sshra.s32 s19, $0x2  }
0xa5: {  	s5 =	sadd.s32 $0x4, s5;
	v0 =	vld [tilespmem:s23+$0x39F0]  }
0xa6: {  	p1 =	slt.u32 s5, $0x3C;
	v1 =	vld [tilespmem:s23+$0x59F0]  }
0xa7: {  	v2 =	vld [tilespmem:s23+$0x3800]  }
0xa8: {  	v3 =	vld [tilespmem:s23+$0x5800]  }
0xa9: {  	v4 =	vld [tilespmem:s23+$0x3810]  }
0xaa: {  	v5 =	vld [tilespmem:s23+$0x5810]  }
0xab: {  	v6 =	vld [tilespmem:s23+$0x3820];
	v1 =	vadd.f32 v1, v0  }
0xac: {  	v7 =	vld [tilespmem:s23+$0x5820]  }
0xad: {  	v0 =	vadd.f32 v3, v2;
	[tilespmem:s23+$0x19F0] =	vst.add.f32.msk $0xffff, v1  }
0xae: {  	v3 =	vld [tilespmem:s23+$0x3830]  }
0xaf: {  	v1 =	vadd.f32 v5, v4;
	v4 =	vld [tilespmem:s23+$0x5830]  }
0xb0: {  	v5 =	vld [tilespmem:s23+$0x3840]  }
0xb1: {  	v2 =	vadd.f32 v7, v6;
	v6 =	vld [tilespmem:s23+$0x5840]  }
0xb2: {  	v7 =	vld [tilespmem:s23+$0x3850]  }
0xb3: {  	v8 =	vld [tilespmem:s23+$0x5850]  }
0xb4: {  	v3 =	vadd.f32 v4, v3;
	v9 =	vld [tilespmem:s23+$0x3860]  }
0xb5: {  	v10 =	vld [tilespmem:s23+$0x5860]  }
0xb6: {  	v4 =	vadd.f32 v6, v5;
	v5 =	vld [tilespmem:s23+$0x3870]  }
0xb7: {  	v6 =	vld [tilespmem:s23+$0x5870]  }
0xb8: {  	v7 =	vadd.f32 v8, v7;
	v8 =	vld [tilespmem:s23+$0x3880]  }
0xb9: {  	v11 =	vld [tilespmem:s23+$0x5880]  }
0xba: {  	v9 =	vadd.f32 v10, v9;
	v10 =	vld [tilespmem:s23+$0x3890]  }
0xbb: {  	v12 =	vld [tilespmem:s23+$0x5890]  }
0xbc: {  	v5 =	vadd.f32 v6, v5;
	v6 =	vld [tilespmem:s23+$0x38A0]  }
0xbd: {  	v13 =	vld [tilespmem:s23+$0x58A0]  }
0xbe: {  	v8 =	vadd.f32 v11, v8;
	v11 =	vld [tilespmem:s23+$0x38B0]  }
0xbf: {  	v14 =	vld [tilespmem:s23+$0x58B0]  }
0xc0: {  	v10 =	vadd.f32 v12, v10;
	v12 =	vld [tilespmem:s23+$0x38C0]  }
0xc1: {  	v15 =	vld [tilespmem:s23+$0x58C0]  }
0xc2: {  	v6 =	vadd.f32 v13, v6;
	v13 =	vld [tilespmem:s23+$0x38D0]  }
0xc3: {  	v16 =	vld [tilespmem:s23+$0x58D0]  }
0xc4: {  	v11 =	vadd.f32 v14, v11;
	v14 =	vld [tilespmem:s23+$0x38E0]  }
0xc5: {  	v17 =	vld [tilespmem:s23+$0x58E0]  }
0xc6: {  	v12 =	vadd.f32 v15, v12;
	v15 =	vld [tilespmem:s23+$0x38F0]  }
0xc7: {  	v18 =	vld [tilespmem:s23+$0x58F0]  }
0xc8: {  	v13 =	vadd.f32 v16, v13;
	v16 =	vld [tilespmem:s23+$0x3900]  }
0xc9: {  	v19 =	vld [tilespmem:s23+$0x5900]  }
0xca: {  	v14 =	vadd.f32 v17, v14;
	v17 =	vld [tilespmem:s23+$0x3910]  }
0xcb: {  	v20 =	vld [tilespmem:s23+$0x5910]  }
0xcc: {  	v15 =	vadd.f32 v18, v15;
	v18 =	vld [tilespmem:s23+$0x3920]  }
0xcd: {  	v21 =	vld [tilespmem:s23+$0x5920]  }
0xce: {  	v16 =	vadd.f32 v19, v16;
	v19 =	vld [tilespmem:s23+$0x3930]  }
0xcf: {  	v22 =	vld [tilespmem:s23+$0x5930]  }
0xd0: {  	v17 =	vadd.f32 v20, v17;
	v20 =	vld [tilespmem:s23+$0x3940]  }
0xd1: {  	v23 =	vld [tilespmem:s23+$0x5940]  }
0xd2: {  	v18 =	vadd.f32 v21, v18;
	v21 =	vld [tilespmem:s23+$0x3950]  }
0xd3: {  	v24 =	vld [tilespmem:s23+$0x5950]  }
0xd4: {  	v19 =	vadd.f32 v22, v19;
	v22 =	vld [tilespmem:s23+$0x3960]  }
0xd5: {  	v25 =	vld [tilespmem:s23+$0x5960]  }
0xd6: {  	v20 =	vadd.f32 v23, v20;
	v23 =	vld [tilespmem:s23+$0x3970]  }
0xd7: {  	v26 =	vld [tilespmem:s23+$0x5970]  }
0xd8: {  	v21 =	vadd.f32 v24, v21;
	v24 =	vld [tilespmem:s23+$0x3980]  }
0xd9: {  	v27 =	vld [tilespmem:s23+$0x5980]  }
0xda: {  	v22 =	vadd.f32 v25, v22;
	v25 =	vld [tilespmem:s23+$0x3990]  }
0xdb: {  	v28 =	vld [tilespmem:s23+$0x5990]  }
0xdc: {  	v23 =	vadd.f32 v26, v23;
	v26 =	vld [tilespmem:s23+$0x39A0]  }
0xdd: {  	v29 =	vld [tilespmem:s23+$0x59A0]  }
0xde: {  	v24 =	vadd.f32 v27, v24;
	v27 =	vld [tilespmem:s23+$0x39B0]  }
0xdf: {  	v30 =	vld [tilespmem:s23+$0x59B0]  }
0xe0: {  	v25 =	vadd.f32 v28, v25;
	v28 =	vld [tilespmem:s23+$0x39C0]  }
0xe1: {  	v31 =	vld [tilespmem:s23+$0x59C0]  }
0xe2: {  	v26 =	vadd.f32 v29, v26;
	v29 =	vld [tilespmem:s23+$0x39D0]  }
0xe3: {  	v32 =	vld [tilespmem:s23+$0x59D0]  }
0xe4: {  	v27 =	vadd.f32 v30, v27;
	v30 =	vld [tilespmem:s23+$0x39E0]  }
0xe5: {  	v33 =	vld [tilespmem:s23+$0x59E0]  }
0xe6: {  	[tilespmem:s23+$0x1800] =	vst.add.f32.msk $0xffff, v0;
	v28 =	vadd.f32 v31, v28  }
0xe7: {  	[tilespmem:s23+$0x1810] =	vst.add.f32.msk $0xffff, v1  }
0xe8: {  	[tilespmem:s23+$0x1820] =	vst.add.f32.msk $0xffff, v2;
	v1 =	vadd.f32 v32, v29  }
0xe9: {  	[tilespmem:s23+$0x1830] =	vst.add.f32.msk $0xffff, v3  }
0xea: {  	[tilespmem:s23+$0x1840] =	vst.add.f32.msk $0xffff, v4;
	v0 =	vadd.f32 v33, v30  }
0xeb: {  	[tilespmem:s23+$0x1850] =	vst.add.f32.msk $0xffff, v7  }
0xec: {  	[tilespmem:s23+$0x1860] =	vst.add.f32.msk $0xffff, v9  }
0xed: {  	[tilespmem:s23+$0x1870] =	vst.add.f32.msk $0xffff, v5  }
0xee: {  	[tilespmem:s23+$0x1880] =	vst.add.f32.msk $0xffff, v8  }
0xef: {  	[tilespmem:s23+$0x1890] =	vst.add.f32.msk $0xffff, v10  }
0xf0: {  	[tilespmem:s23+$0x18A0] =	vst.add.f32.msk $0xffff, v6  }
0xf1: {  	[tilespmem:s23+$0x18B0] =	vst.add.f32.msk $0xffff, v11  }
0xf2: {  	[tilespmem:s23+$0x18C0] =	vst.add.f32.msk $0xffff, v12  }
0xf3: {  	[tilespmem:s23+$0x18D0] =	vst.add.f32.msk $0xffff, v13  }
0xf4: {  	[tilespmem:s23+$0x18E0] =	vst.add.f32.msk $0xffff, v14  }
0xf5: {  	[tilespmem:s23+$0x18F0] =	vst.add.f32.msk $0xffff, v15  }
0xf6: {  	[tilespmem:s23+$0x1900] =	vst.add.f32.msk $0xffff, v16  }
0xf7: {  	[tilespmem:s23+$0x1910] =	vst.add.f32.msk $0xffff, v17  }
0xf8: {  	[tilespmem:s23+$0x1920] =	vst.add.f32.msk $0xffff, v18  }
0xf9: {  	[tilespmem:s23+$0x1930] =	vst.add.f32.msk $0xffff, v19  }
0xfa: {  	[tilespmem:s23+$0x1940] =	vst.add.f32.msk $0xffff, v20  }
0xfb: {  	[tilespmem:s23+$0x1950] =	vst.add.f32.msk $0xffff, v21  }
0xfc: {  	[tilespmem:s23+$0x1960] =	vst.add.f32.msk $0xffff, v22  }
0xfd: {  	[tilespmem:s23+$0x1970] =	vst.add.f32.msk $0xffff, v23  }
0xfe: {  	[tilespmem:s23+$0x1980] =	vst.add.f32.msk $0xffff, v24  }
.Ltmp0:
0xff: {  	[tilespmem:s23+$0x1990] =	vst.add.f32.msk $0xffff, v25;
	(pc) =	sbr.rel @p1 .LBB2_3-.Ltmp0, $4  }
0x100: {  	[tilespmem:s23+$0x19A0] =	vst.add.f32.msk $0xffff, v26  }
0x101: {  	[tilespmem:s23+$0x19B0] =	vst.add.f32.msk $0xffff, v27  }
0x102: {  	[tilespmem:s23+$0x19C0] =	vst.add.f32.msk $0xffff, v28  }
0x103: {  	s19 =	sadd.s32 $0x800, s19;
	[tilespmem:s23+$0x19D0] =	vst.add.f32.msk $0xffff, v1  }
0x104: {  	s5 =	sshll.u32 s1, $0xC  }
0x105: {  	s25 =	rddreg [dreg:$0x2];
	s19 =	sadd.s32 s11, s5  }
0x106: {  	[tilespmem:s23+$0x19E0] =	vst.add.f32.msk $0xffff, v0;
	s21 =	simm.s32 $0x1800;
	p1 =	seq.s32 s1, $0x0;
	s5 =	sadd.s32 s25, s19  }
0x107: {  	[hbm4b:s5+s4] =	stream.linear.scatter [tilespmem:s21], [sflag:$0xD], $0x2000, $0x38;
	[tilespmem:$0x1B480] =	vst v63  }
0x108: {  	s5 =	simm.s32 @!p1 $0xF  }
0x109: {  	_ =	swait.ge @!p1 [sflag:s5], $0x2000  }
0x10a: {  	s23 =	sshll.u32 s1, $0x8;
	[sflag:s5] =	ssyncset.done @!p1 $0x0  }
0x10b: {  	s21 =	sor.u32 $0x80, s23;
	[sflag:s5] =	ssyncadd.s32 @!p1 $0xFFFFE000  }
0x10c: {  	[tilespmem:s22], [sflag:$0x7] =	stream.indirect.gather [spmem:s2], $0x80, s21, s20, $0xb8;
	[tilespmem:$0x1B480] =	vst v63  }
0x10d: {  	s24 =	sadd.s32 $0x880, s23;
	s25 =	simm.s32 $0xF800  }
0x10e: {  	[tilespmem:s25], [sflag:$0x8] =	stream.indirect.gather [spmem:s3], $0x80, s24, s20, $0xb8;
	[tilespmem:$0x1B480] =	vst v63  }
0x10f: {  	s24 =	sadd.s32 $0x1080, s23;
	s25 =	simm.s32 $0x11800  }
0x110: {  	[tilespmem:s25], [sflag:$0x9] =	stream.indirect.gather [hbm4b:s7+s20], $0x80, s24, s20, $0xb8;
	[tilespmem:$0x1B480] =	vst v63  }
0x111: {  	_ =	swait.ge [sflag:s26], $0x2000  }
0x112: {  	[sflag:s26] =	ssyncset.done $0x0  }
0x113: {  	[sflag:s26] =	ssyncadd.s32 $0xFFFFE000  }
0x114: {  	_ =	swait.ge [sflag:s28], $0x2000  }
0x115: {  	[sflag:s28] =	ssyncset.done $0x0  }
0x116: {  	[sflag:s28] =	ssyncadd.s32 $0xFFFFE000  }
0x117: {  	_ =	swait.ge [sflag:s29], $0x2000  }
0x118: {  	[sflag:s29] =	ssyncset.done $0x0  }
0x119: {  	s5 =	simm.s32 $0x0;
	[sflag:s29] =	ssyncadd.s32 $0xFFFFE000  }
0x11a: {  	v0 =	vld [tilespmem:s5+$0x99F0]  }
0x11b: {  	v1 =	vld [tilespmem:s5+$0xB9F0]  }
0x11c: {  	v2 =	vld [tilespmem:s5+$0x9800]  }
0x11d: {  	v3 =	vld [tilespmem:s5+$0xB800]  }
0x11e: {  	v4 =	vld [tilespmem:s5+$0x9810]  }
0x11f: {  	v5 =	vld [tilespmem:s5+$0xB810]  }
0x120: {  	v6 =	vld [tilespmem:s5+$0x9820]  }
0x121: {  	v7 =	vld [tilespmem:s5+$0xB830]  }
0x122: {  	v8 =	vld [tilespmem:s5+$0x9840]  }
0x123: {  	v9 =	vld [tilespmem:s5+$0xB840]  }
0x124: {  	v10 =	vld [tilespmem:s5+$0x9850]  }
0x125: {  	v11 =	vld [tilespmem:s5+$0xB850]  }
0x126: {  	v12 =	vld [tilespmem:s5+$0x9860]  }
0x127: {  	v13 =	vld [tilespmem:s5+$0xB860]  }
0x128: {  	v14 =	vld [tilespmem:s5+$0x9870]  }
0x129: {  	v15 =	vld [tilespmem:s5+$0xB870]  }
0x12a: {  	v16 =	vld [tilespmem:s5+$0x9880]  }
0x12b: {  	v17 =	vld [tilespmem:s5+$0xB880]  }
0x12c: {  	v18 =	vld [tilespmem:s5+$0x9890]  }
0x12d: {  	v19 =	vld [tilespmem:s5+$0xB890]  }
0x12e: {  	v20 =	vld [tilespmem:s5+$0x98A0]  }
0x12f: {  	v21 =	vld [tilespmem:s5+$0xB8A0]  }
0x130: {  	v22 =	vld [tilespmem:s5+$0x98B0]  }
0x131: {  	v23 =	vld [tilespmem:s5+$0xB8B0]  }
0x132: {  	v24 =	vld [tilespmem:s5+$0x98C0]  }
0x133: {  	v25 =	vld [tilespmem:s5+$0xB8C0]  }
0x134: {  	v26 =	vld [tilespmem:s5+$0x98D0]  }
0x135: {  	v27 =	vld [tilespmem:s5+$0xB8D0]  }
0x136: {  	v28 =	vld [tilespmem:s5+$0x98E0]  }
0x137: {  	v29 =	vld [tilespmem:s5+$0xB8E0]  }
0x138: {  	v30 =	vld [tilespmem:s5+$0x98F0]  }
0x139: {  	v31 =	vld [tilespmem:s5+$0xB8F0]  }
0x13a: {  	v32 =	vld [tilespmem:s5+$0x9900]  }
0x13b: {  	v33 =	vld [tilespmem:s5+$0xB900]  }
0x13c: {  	v34 =	vld [tilespmem:s5+$0x9910]  }
0x13d: {  	v35 =	vld [tilespmem:s5+$0xB910]  }
0x13e: {  	v36 =	vld [tilespmem:s5+$0x9920]  }
0x13f: {  	v37 =	vld [tilespmem:s5+$0xB920]  }
0x140: {  	v38 =	vld [tilespmem:s5+$0x9930]  }
0x141: {  	v39 =	vld [tilespmem:s5+$0xB930]  }
0x142: {  	v40 =	vld [tilespmem:s5+$0x9940]  }
0x143: {  	v41 =	vld [tilespmem:s5+$0xB940]  }
0x144: {  	v42 =	vld [tilespmem:s5+$0x9950]  }
0x145: {  	v43 =	vld [tilespmem:s5+$0xB950]  }
0x146: {  	v44 =	vld [tilespmem:s5+$0x9960]  }
0x147: {  	v45 =	vld [tilespmem:s5+$0x9970]  }
0x148: {  	v47 =	vld [tilespmem:s5+$0x99C0]  }
0x149: {  	v49 =	vld [tilespmem:s5+$0xB9C0]  }
0x14a: {  	v51 =	vld [tilespmem:s5+$0x99D0]  }
0x14b: {  	v52 =	vld [tilespmem:s5+$0xB9D0]  }
0x14c: {  	v54 =	vld [tilespmem:s5+$0x99E0]  }
0x14d: {  	v56 =	vld [tilespmem:s5+$0xB9E0]  }
0x14e: {  	v0 =	vadd.f32 v1, v0;
	v1 =	vld [tilespmem:s5+$0xB820]  }
0x14f: {  	v2 =	vadd.f32 v3, v2;
	v3 =	vld [tilespmem:s5+$0xB960]  }
0x150: {  	v4 =	vadd.f32 v5, v4;
	v5 =	vld [tilespmem:s5+$0xB990]  }
0x151: {  	v9 =	vadd.f32 v9, v8;
	v8 =	vld [tilespmem:s5+$0x99B0]  }
0x152: {  	[tilespmem:s5+$0x79F0] =	vst.add.f32.msk $0xffff, v0  }
0x153: {  	v0 =	vld [tilespmem:s5+$0x9830]  }
0x154: {  	[tilespmem:s5+$0x7800] =	vst.add.f32.msk $0xffff, v2  }
0x155: {  	v2 =	vld [tilespmem:s5+$0xB970]  }
0x156: {  	[tilespmem:s5+$0x7810] =	vst.add.f32.msk $0xffff, v4  }
0x157: {  	v11 =	vadd.f32 v11, v10;
	v4 =	vld [tilespmem:s5+$0x9980]  }
0x158: {  	v13 =	vadd.f32 v13, v12;
	[tilespmem:s5+$0x7840] =	vst.add.f32.msk $0xffff, v9  }
0x159: {  	v15 =	vadd.f32 v15, v14;
	[tilespmem:s5+$0x7850] =	vst.add.f32.msk $0xffff, v11  }
0x15a: {  	v17 =	vadd.f32 v17, v16;
	[tilespmem:s5+$0x7860] =	vst.add.f32.msk $0xffff, v13  }
0x15b: {  	[tilespmem:s5+$0x7870] =	vst.add.f32.msk $0xffff, v15  }
0x15c: {  	v19 =	vadd.f32 v19, v18;
	[tilespmem:s5+$0x7880] =	vst.add.f32.msk $0xffff, v17  }
0x15d: {  	v46 =	vadd.f32 v21, v20;
	v9 =	vld [tilespmem:s5+$0xB9B0]  }
0x15e: {  	v48 =	vadd.f32 v23, v22;
	[tilespmem:s5+$0x7890] =	vst.add.f32.msk $0xffff, v19  }
0x15f: {  	v50 =	vadd.f32 v25, v24;
	[tilespmem:s5+$0x78A0] =	vst.add.f32.msk $0xffff, v46  }
0x160: {  	v53 =	vadd.f32 v27, v26;
	[tilespmem:s5+$0x78B0] =	vst.add.f32.msk $0xffff, v48  }
0x161: {  	v55 =	vadd.f32 v29, v28;
	[tilespmem:s5+$0x78C0] =	vst.add.f32.msk $0xffff, v50  }
0x162: {  	v57 =	vadd.f32 v31, v30;
	[tilespmem:s5+$0x78D0] =	vst.add.f32.msk $0xffff, v53  }
0x163: {  	v58 =	vadd.f32 v33, v32;
	[tilespmem:s5+$0x78E0] =	vst.add.f32.msk $0xffff, v55  }
0x164: {  	v59 =	vadd.f32 v35, v34;
	[tilespmem:s5+$0x78F0] =	vst.add.f32.msk $0xffff, v57  }
0x165: {  	v60 =	vadd.f32 v37, v36;
	[tilespmem:s5+$0x7900] =	vst.add.f32.msk $0xffff, v58  }
0x166: {  	v61 =	vadd.f32 v39, v38;
	[tilespmem:s5+$0x7910] =	vst.add.f32.msk $0xffff, v59  }
0x167: {  	[tilespmem:s5+$0x7920] =	vst.add.f32.msk $0xffff, v60  }
0x168: {  	[tilespmem:s5+$0x7930] =	vst.add.f32.msk $0xffff, v61;
	v1 =	vadd.f32 v1, v6  }
0x169: {  	v6 =	vld [tilespmem:s5+$0x99A0]  }
0x16a: {  	[tilespmem:s5+$0x7820] =	vst.add.f32.msk $0xffff, v1  }
0x16b: {  	v0 =	vadd.f32 v7, v0;
	v1 =	vld [tilespmem:s5+$0xB980]  }
0x16c: {  	v7 =	vld [tilespmem:s5+$0xB9A0]  }
0x16d: {  	v62 =	vadd.f32 v41, v40;
	[tilespmem:s5+$0x7830] =	vst.add.f32.msk $0xffff, v0  }
0x16e: {  	v63 =	vadd.f32 v43, v42;
	v0 =	vld [tilespmem:s5+$0x9990]  }
0x16f: {  	[tilespmem:s5+$0x7940] =	vst.add.f32.msk $0xffff, v62;
	v3 =	vadd.f32 v3, v44  }
0x170: {  	[tilespmem:s5+$0x7950] =	vst.add.f32.msk $0xffff, v63;
	v2 =	vadd.f32 v2, v45  }
0x171: {  	[tilespmem:s5+$0x7960] =	vst.add.f32.msk $0xffff, v3;
	v1 =	vadd.f32 v1, v4  }
0x172: {  	[tilespmem:s5+$0x7970] =	vst.add.f32.msk $0xffff, v2;
	v2 =	vadd.f32 v7, v6  }
0x173: {  	v0 =	vadd.f32 v5, v0;
	[tilespmem:s5+$0x7980] =	vst.add.f32.msk $0xffff, v1  }
0x174: {  	v1 =	vadd.f32 v9, v8;
	[tilespmem:s5+$0x79A0] =	vst.add.f32.msk $0xffff, v2  }
0x175: {  	[tilespmem:s5+$0x7990] =	vst.add.f32.msk $0xffff, v0;
	v0 =	vadd.f32 v49, v47  }
0x176: {  	v2 =	vadd.f32 v52, v51;
	[tilespmem:s5+$0x79B0] =	vst.add.f32.msk $0xffff, v1  }
0x177: {  	[tilespmem:s5+$0x79C0] =	vst.add.f32.msk $0xffff, v0;
	v0 =	vadd.f32 v56, v54  }
0x178: {  	s21 =	simm.s32 $0x0;
	s25 =	sshll.u32 s1, $0x2;
	s24 =	simm.s32 $0x800;
	[tilespmem:s5+$0x79D0] =	vst.add.f32.msk $0xffff, v2  }
.LBB2_5:
0x179: {  	[tilespmem:s5+$0x79E0] =	vst.add.f32.msk $0xffff, v0;
	s5 =	sshra.s32 s24, $0x2  }
0x17a: {  	s21 =	sadd.s32 $0x4, s21;
	v0 =	vld [tilespmem:s5+$0x99F0]  }
0x17b: {  	p2 =	slt.u32 s21, $0x3C;
	v1 =	vld [tilespmem:s5+$0xB9F0]  }
0x17c: {  	v2 =	vld [tilespmem:s5+$0x9800]  }
0x17d: {  	v3 =	vld [tilespmem:s5+$0xB800]  }
0x17e: {  	v4 =	vld [tilespmem:s5+$0x9810]  }
0x17f: {  	v5 =	vld [tilespmem:s5+$0xB810]  }
0x180: {  	v6 =	vld [tilespmem:s5+$0x9820];
	v1 =	vadd.f32 v1, v0  }
0x181: {  	v7 =	vld [tilespmem:s5+$0xB820]  }
0x182: {  	v0 =	vadd.f32 v3, v2;
	[tilespmem:s5+$0x79F0] =	vst.add.f32.msk $0xffff, v1  }
0x183: {  	v3 =	vld [tilespmem:s5+$0x9830]  }
0x184: {  	v1 =	vadd.f32 v5, v4;
	v4 =	vld [tilespmem:s5+$0xB830]  }
0x185: {  	v5 =	vld [tilespmem:s5+$0x9840]  }
0x186: {  	v2 =	vadd.f32 v7, v6;
	v6 =	vld [tilespmem:s5+$0xB840]  }
0x187: {  	v7 =	vld [tilespmem:s5+$0x9850]  }
0x188: {  	v8 =	vld [tilespmem:s5+$0xB850]  }
0x189: {  	v3 =	vadd.f32 v4, v3;
	v9 =	vld [tilespmem:s5+$0x9860]  }
0x18a: {  	v10 =	vld [tilespmem:s5+$0xB860]  }
0x18b: {  	v4 =	vadd.f32 v6, v5;
	v5 =	vld [tilespmem:s5+$0x9870]  }
0x18c: {  	v6 =	vld [tilespmem:s5+$0xB870]  }
0x18d: {  	v7 =	vadd.f32 v8, v7;
	v8 =	vld [tilespmem:s5+$0x9880]  }
0x18e: {  	v11 =	vld [tilespmem:s5+$0xB880]  }
0x18f: {  	v9 =	vadd.f32 v10, v9;
	v10 =	vld [tilespmem:s5+$0x9890]  }
0x190: {  	v12 =	vld [tilespmem:s5+$0xB890]  }
0x191: {  	v5 =	vadd.f32 v6, v5;
	v6 =	vld [tilespmem:s5+$0x98A0]  }
0x192: {  	v13 =	vld [tilespmem:s5+$0xB8A0]  }
0x193: {  	v8 =	vadd.f32 v11, v8;
	v11 =	vld [tilespmem:s5+$0x98B0]  }
0x194: {  	v14 =	vld [tilespmem:s5+$0xB8B0]  }
0x195: {  	v10 =	vadd.f32 v12, v10;
	v12 =	vld [tilespmem:s5+$0x98C0]  }
0x196: {  	v15 =	vld [tilespmem:s5+$0xB8C0]  }
0x197: {  	v6 =	vadd.f32 v13, v6;
	v13 =	vld [tilespmem:s5+$0x98D0]  }
0x198: {  	v16 =	vld [tilespmem:s5+$0xB8D0]  }
0x199: {  	v11 =	vadd.f32 v14, v11;
	v14 =	vld [tilespmem:s5+$0x98E0]  }
0x19a: {  	v17 =	vld [tilespmem:s5+$0xB8E0]  }
0x19b: {  	v12 =	vadd.f32 v15, v12;
	v15 =	vld [tilespmem:s5+$0x98F0]  }
0x19c: {  	v18 =	vld [tilespmem:s5+$0xB8F0]  }
0x19d: {  	v13 =	vadd.f32 v16, v13;
	v16 =	vld [tilespmem:s5+$0x9900]  }
0x19e: {  	v19 =	vld [tilespmem:s5+$0xB900]  }
0x19f: {  	v14 =	vadd.f32 v17, v14;
	v17 =	vld [tilespmem:s5+$0x9910]  }
0x1a0: {  	v20 =	vld [tilespmem:s5+$0xB910]  }
0x1a1: {  	v15 =	vadd.f32 v18, v15;
	v18 =	vld [tilespmem:s5+$0x9920]  }
0x1a2: {  	v21 =	vld [tilespmem:s5+$0xB920]  }
0x1a3: {  	v16 =	vadd.f32 v19, v16;
	v19 =	vld [tilespmem:s5+$0x9930]  }
0x1a4: {  	v22 =	vld [tilespmem:s5+$0xB930]  }
0x1a5: {  	v17 =	vadd.f32 v20, v17;
	v20 =	vld [tilespmem:s5+$0x9940]  }
0x1a6: {  	v23 =	vld [tilespmem:s5+$0xB940]  }
0x1a7: {  	v18 =	vadd.f32 v21, v18;
	v21 =	vld [tilespmem:s5+$0x9950]  }
0x1a8: {  	v24 =	vld [tilespmem:s5+$0xB950]  }
0x1a9: {  	v19 =	vadd.f32 v22, v19;
	v22 =	vld [tilespmem:s5+$0x9960]  }
0x1aa: {  	v25 =	vld [tilespmem:s5+$0xB960]  }
0x1ab: {  	v20 =	vadd.f32 v23, v20;
	v23 =	vld [tilespmem:s5+$0x9970]  }
0x1ac: {  	v26 =	vld [tilespmem:s5+$0xB970]  }
0x1ad: {  	v21 =	vadd.f32 v24, v21;
	v24 =	vld [tilespmem:s5+$0x9980]  }
0x1ae: {  	v27 =	vld [tilespmem:s5+$0xB980]  }
0x1af: {  	v22 =	vadd.f32 v25, v22;
	v25 =	vld [tilespmem:s5+$0x9990]  }
0x1b0: {  	v28 =	vld [tilespmem:s5+$0xB990]  }
0x1b1: {  	v23 =	vadd.f32 v26, v23;
	v26 =	vld [tilespmem:s5+$0x99A0]  }
0x1b2: {  	v29 =	vld [tilespmem:s5+$0xB9A0]  }
0x1b3: {  	v24 =	vadd.f32 v27, v24;
	v27 =	vld [tilespmem:s5+$0x99B0]  }
0x1b4: {  	v30 =	vld [tilespmem:s5+$0xB9B0]  }
0x1b5: {  	v25 =	vadd.f32 v28, v25;
	v28 =	vld [tilespmem:s5+$0x99C0]  }
0x1b6: {  	v31 =	vld [tilespmem:s5+$0xB9C0]  }
0x1b7: {  	v26 =	vadd.f32 v29, v26;
	v29 =	vld [tilespmem:s5+$0x99D0]  }
0x1b8: {  	v32 =	vld [tilespmem:s5+$0xB9D0]  }
0x1b9: {  	v27 =	vadd.f32 v30, v27;
	v30 =	vld [tilespmem:s5+$0x99E0]  }
0x1ba: {  	v33 =	vld [tilespmem:s5+$0xB9E0]  }
0x1bb: {  	[tilespmem:s5+$0x7800] =	vst.add.f32.msk $0xffff, v0;
	v28 =	vadd.f32 v31, v28  }
0x1bc: {  	[tilespmem:s5+$0x7810] =	vst.add.f32.msk $0xffff, v1  }
0x1bd: {  	[tilespmem:s5+$0x7820] =	vst.add.f32.msk $0xffff, v2;
	v1 =	vadd.f32 v32, v29  }
0x1be: {  	[tilespmem:s5+$0x7830] =	vst.add.f32.msk $0xffff, v3  }
0x1bf: {  	[tilespmem:s5+$0x7840] =	vst.add.f32.msk $0xffff, v4;
	v0 =	vadd.f32 v33, v30  }
0x1c0: {  	[tilespmem:s5+$0x7850] =	vst.add.f32.msk $0xffff, v7  }
0x1c1: {  	[tilespmem:s5+$0x7860] =	vst.add.f32.msk $0xffff, v9  }
0x1c2: {  	[tilespmem:s5+$0x7870] =	vst.add.f32.msk $0xffff, v5  }
0x1c3: {  	[tilespmem:s5+$0x7880] =	vst.add.f32.msk $0xffff, v8  }
0x1c4: {  	[tilespmem:s5+$0x7890] =	vst.add.f32.msk $0xffff, v10  }
0x1c5: {  	[tilespmem:s5+$0x78A0] =	vst.add.f32.msk $0xffff, v6  }
0x1c6: {  	[tilespmem:s5+$0x78B0] =	vst.add.f32.msk $0xffff, v11  }
0x1c7: {  	[tilespmem:s5+$0x78C0] =	vst.add.f32.msk $0xffff, v12  }
0x1c8: {  	[tilespmem:s5+$0x78D0] =	vst.add.f32.msk $0xffff, v13  }
0x1c9: {  	[tilespmem:s5+$0x78E0] =	vst.add.f32.msk $0xffff, v14  }
0x1ca: {  	[tilespmem:s5+$0x78F0] =	vst.add.f32.msk $0xffff, v15  }
0x1cb: {  	[tilespmem:s5+$0x7900] =	vst.add.f32.msk $0xffff, v16  }
0x1cc: {  	[tilespmem:s5+$0x7910] =	vst.add.f32.msk $0xffff, v17  }
0x1cd: {  	[tilespmem:s5+$0x7920] =	vst.add.f32.msk $0xffff, v18  }
0x1ce: {  	[tilespmem:s5+$0x7930] =	vst.add.f32.msk $0xffff, v19  }
0x1cf: {  	[tilespmem:s5+$0x7940] =	vst.add.f32.msk $0xffff, v20  }
0x1d0: {  	[tilespmem:s5+$0x7950] =	vst.add.f32.msk $0xffff, v21  }
0x1d1: {  	[tilespmem:s5+$0x7960] =	vst.add.f32.msk $0xffff, v22  }
0x1d2: {  	[tilespmem:s5+$0x7970] =	vst.add.f32.msk $0xffff, v23  }
0x1d3: {  	[tilespmem:s5+$0x7980] =	vst.add.f32.msk $0xffff, v24  }
.Ltmp1:
0x1d4: {  	[tilespmem:s5+$0x7990] =	vst.add.f32.msk $0xffff, v25;
	(pc) =	sbr.rel @p2 .LBB2_5-.Ltmp1, $4  }
0x1d5: {  	[tilespmem:s5+$0x79A0] =	vst.add.f32.msk $0xffff, v26  }
0x1d6: {  	[tilespmem:s5+$0x79B0] =	vst.add.f32.msk $0xffff, v27  }
0x1d7: {  	[tilespmem:s5+$0x79C0] =	vst.add.f32.msk $0xffff, v28  }
0x1d8: {  	s24 =	sadd.s32 $0x800, s24;
	[tilespmem:s5+$0x79D0] =	vst.add.f32.msk $0xffff, v1  }
0x1d9: {  	[tilespmem:s5+$0x79E0] =	vst.add.f32.msk $0xffff, v0;
	s21 =	sadd.s32 s19, s12;
	s24 =	simm.s32 $0x7800;
	s5 =	simm.s32 @!p1 $0x10  }
0x1da: {  	[hbm4b:s21+s4] =	stream.linear.scatter [tilespmem:s24], [sflag:$0xE], $0x2000, $0x38;
	[tilespmem:$0x1B480] =	vst v63  }
0x1db: {  	_ =	swait.ge @!p1 [sflag:s5], $0x2000  }
0x1dc: {  	[sflag:s5] =	ssyncset.done @!p1 $0x0  }
0x1dd: {  	s19 =	sor.u32 $0xC0, s23;
	[sflag:s5] =	ssyncadd.s32 @!p1 $0xFFFFE000  }
0x1de: {  	[tilespmem:s18], [sflag:$0xA] =	stream.indirect.gather [spmem:s2], $0x80, s19, s20, $0xb8;
	[tilespmem:$0x1B480] =	vst v63  }
0x1df: {  	s21 =	sadd.s32 $0x8C0, s23;
	s24 =	simm.s32 $0x15800  }
0x1e0: {  	[tilespmem:s24], [sflag:$0xB] =	stream.indirect.gather [spmem:s3], $0x80, s21, s20, $0xb8;
	[tilespmem:$0x1B480] =	vst v63  }
0x1e1: {  	s21 =	sadd.s32 $0x10C0, s23;
	s24 =	simm.s32 $0x17800  }
0x1e2: {  	[tilespmem:s24], [sflag:$0xC] =	stream.indirect.gather [hbm4b:s7+s20], $0x80, s21, s20, $0xb8;
	[tilespmem:$0x1B480] =	vst v63  }
0x1e3: {  	_ =	swait.ge [sflag:s6], $0x2000  }
0x1e4: {  	[sflag:s6] =	ssyncset.done $0x0  }
0x1e5: {  	[sflag:s6] =	ssyncadd.s32 $0xFFFFE000  }
0x1e6: {  	_ =	swait.ge [sflag:s8], $0x2000  }
0x1e7: {  	[sflag:s8] =	ssyncset.done $0x0  }
0x1e8: {  	[sflag:s8] =	ssyncadd.s32 $0xFFFFE000  }
0x1e9: {  	_ =	swait.ge [sflag:s9], $0x2000  }
0x1ea: {  	[sflag:s9] =	ssyncset.done $0x0  }
0x1eb: {  	s19 =	simm.s32 $0x0;
	[sflag:s9] =	ssyncadd.s32 $0xFFFFE000  }
0x1ec: {  	v0 =	vld [tilespmem:s19+$0xF9F0]  }
0x1ed: {  	v1 =	vld [tilespmem:s19+$0x119F0]  }
0x1ee: {  	v2 =	vld [tilespmem:s19+$0xF800]  }
0x1ef: {  	v3 =	vld [tilespmem:s19+$0x11800]  }
0x1f0: {  	v4 =	vld [tilespmem:s19+$0xF810]  }
0x1f1: {  	v5 =	vld [tilespmem:s19+$0x11810]  }
0x1f2: {  	v6 =	vld [tilespmem:s19+$0xF820]  }
0x1f3: {  	v7 =	vld [tilespmem:s19+$0x11830]  }
0x1f4: {  	v8 =	vld [tilespmem:s19+$0xF840]  }
0x1f5: {  	v9 =	vld [tilespmem:s19+$0x11840]  }
0x1f6: {  	v10 =	vld [tilespmem:s19+$0xF850]  }
0x1f7: {  	v11 =	vld [tilespmem:s19+$0x11850]  }
0x1f8: {  	v12 =	vld [tilespmem:s19+$0xF860]  }
0x1f9: {  	v13 =	vld [tilespmem:s19+$0x11860]  }
0x1fa: {  	v14 =	vld [tilespmem:s19+$0xF870]  }
0x1fb: {  	v15 =	vld [tilespmem:s19+$0x11870]  }
0x1fc: {  	v16 =	vld [tilespmem:s19+$0xF880]  }
0x1fd: {  	v17 =	vld [tilespmem:s19+$0x11880]  }
0x1fe: {  	v18 =	vld [tilespmem:s19+$0xF890]  }
0x1ff: {  	v19 =	vld [tilespmem:s19+$0x11890]  }
0x200: {  	v20 =	vld [tilespmem:s19+$0xF8A0]  }
0x201: {  	v21 =	vld [tilespmem:s19+$0x118A0]  }
0x202: {  	v22 =	vld [tilespmem:s19+$0xF8B0]  }
0x203: {  	v23 =	vld [tilespmem:s19+$0x118B0]  }
0x204: {  	v24 =	vld [tilespmem:s19+$0xF8C0]  }
0x205: {  	v25 =	vld [tilespmem:s19+$0x118C0]  }
0x206: {  	v26 =	vld [tilespmem:s19+$0xF8D0]  }
0x207: {  	v27 =	vld [tilespmem:s19+$0x118D0]  }
0x208: {  	v28 =	vld [tilespmem:s19+$0xF8E0]  }
0x209: {  	v29 =	vld [tilespmem:s19+$0x118E0]  }
0x20a: {  	v30 =	vld [tilespmem:s19+$0xF8F0]  }
0x20b: {  	v31 =	vld [tilespmem:s19+$0x118F0]  }
0x20c: {  	v32 =	vld [tilespmem:s19+$0xF900]  }
0x20d: {  	v33 =	vld [tilespmem:s19+$0x11900]  }
0x20e: {  	v34 =	vld [tilespmem:s19+$0xF910]  }
0x20f: {  	v35 =	vld [tilespmem:s19+$0x11910]  }
0x210: {  	v36 =	vld [tilespmem:s19+$0xF920]  }
0x211: {  	v37 =	vld [tilespmem:s19+$0x11920]  }
0x212: {  	v38 =	vld [tilespmem:s19+$0xF930]  }
0x213: {  	v39 =	vld [tilespmem:s19+$0x11930]  }
0x214: {  	v40 =	vld [tilespmem:s19+$0xF940]  }
0x215: {  	v41 =	vld [tilespmem:s19+$0x11940]  }
0x216: {  	v42 =	vld [tilespmem:s19+$0xF950]  }
0x217: {  	v43 =	vld [tilespmem:s19+$0x11950]  }
0x218: {  	v44 =	vld [tilespmem:s19+$0xF960]  }
0x219: {  	v45 =	vld [tilespmem:s19+$0xF970]  }
0x21a: {  	v47 =	vld [tilespmem:s19+$0xF9C0]  }
0x21b: {  	v49 =	vld [tilespmem:s19+$0x119C0]  }
0x21c: {  	v51 =	vld [tilespmem:s19+$0xF9D0]  }
0x21d: {  	v52 =	vld [tilespmem:s19+$0x119D0]  }
0x21e: {  	v54 =	vld [tilespmem:s19+$0xF9E0]  }
0x21f: {  	v56 =	vld [tilespmem:s19+$0x119E0]  }
0x220: {  	v0 =	vadd.f32 v1, v0;
	v1 =	vld [tilespmem:s19+$0x11820]  }
0x221: {  	v2 =	vadd.f32 v3, v2;
	v3 =	vld [tilespmem:s19+$0x11960]  }
0x222: {  	v4 =	vadd.f32 v5, v4;
	v5 =	vld [tilespmem:s19+$0x11990]  }
0x223: {  	v9 =	vadd.f32 v9, v8;
	v8 =	vld [tilespmem:s19+$0xF9B0]  }
0x224: {  	[tilespmem:s19+$0xD9F0] =	vst.add.f32.msk $0xffff, v0  }
0x225: {  	v0 =	vld [tilespmem:s19+$0xF830]  }
0x226: {  	[tilespmem:s19+$0xD800] =	vst.add.f32.msk $0xffff, v2  }
0x227: {  	v2 =	vld [tilespmem:s19+$0x11970]  }
0x228: {  	[tilespmem:s19+$0xD810] =	vst.add.f32.msk $0xffff, v4  }
0x229: {  	v11 =	vadd.f32 v11, v10;
	v4 =	vld [tilespmem:s19+$0xF980]  }
0x22a: {  	v13 =	vadd.f32 v13, v12;
	[tilespmem:s19+$0xD840] =	vst.add.f32.msk $0xffff, v9  }
0x22b: {  	v15 =	vadd.f32 v15, v14;
	[tilespmem:s19+$0xD850] =	vst.add.f32.msk $0xffff, v11  }
0x22c: {  	v17 =	vadd.f32 v17, v16;
	[tilespmem:s19+$0xD860] =	vst.add.f32.msk $0xffff, v13  }
0x22d: {  	[tilespmem:s19+$0xD870] =	vst.add.f32.msk $0xffff, v15  }
0x22e: {  	v19 =	vadd.f32 v19, v18;
	[tilespmem:s19+$0xD880] =	vst.add.f32.msk $0xffff, v17  }
0x22f: {  	v46 =	vadd.f32 v21, v20;
	v9 =	vld [tilespmem:s19+$0x119B0]  }
0x230: {  	v48 =	vadd.f32 v23, v22;
	[tilespmem:s19+$0xD890] =	vst.add.f32.msk $0xffff, v19  }
0x231: {  	v50 =	vadd.f32 v25, v24;
	[tilespmem:s19+$0xD8A0] =	vst.add.f32.msk $0xffff, v46  }
0x232: {  	v53 =	vadd.f32 v27, v26;
	[tilespmem:s19+$0xD8B0] =	vst.add.f32.msk $0xffff, v48  }
0x233: {  	v55 =	vadd.f32 v29, v28;
	[tilespmem:s19+$0xD8C0] =	vst.add.f32.msk $0xffff, v50  }
0x234: {  	v57 =	vadd.f32 v31, v30;
	[tilespmem:s19+$0xD8D0] =	vst.add.f32.msk $0xffff, v53  }
0x235: {  	v58 =	vadd.f32 v33, v32;
	[tilespmem:s19+$0xD8E0] =	vst.add.f32.msk $0xffff, v55  }
0x236: {  	v59 =	vadd.f32 v35, v34;
	[tilespmem:s19+$0xD8F0] =	vst.add.f32.msk $0xffff, v57  }
0x237: {  	v60 =	vadd.f32 v37, v36;
	[tilespmem:s19+$0xD900] =	vst.add.f32.msk $0xffff, v58  }
0x238: {  	v61 =	vadd.f32 v39, v38;
	[tilespmem:s19+$0xD910] =	vst.add.f32.msk $0xffff, v59  }
0x239: {  	[tilespmem:s19+$0xD920] =	vst.add.f32.msk $0xffff, v60  }
0x23a: {  	[tilespmem:s19+$0xD930] =	vst.add.f32.msk $0xffff, v61;
	v1 =	vadd.f32 v1, v6  }
0x23b: {  	v6 =	vld [tilespmem:s19+$0xF9A0]  }
0x23c: {  	[tilespmem:s19+$0xD820] =	vst.add.f32.msk $0xffff, v1  }
0x23d: {  	v0 =	vadd.f32 v7, v0;
	v1 =	vld [tilespmem:s19+$0x11980]  }
0x23e: {  	v7 =	vld [tilespmem:s19+$0x119A0]  }
0x23f: {  	v62 =	vadd.f32 v41, v40;
	[tilespmem:s19+$0xD830] =	vst.add.f32.msk $0xffff, v0  }
0x240: {  	v63 =	vadd.f32 v43, v42;
	v0 =	vld [tilespmem:s19+$0xF990]  }
0x241: {  	[tilespmem:s19+$0xD940] =	vst.add.f32.msk $0xffff, v62;
	v3 =	vadd.f32 v3, v44  }
0x242: {  	[tilespmem:s19+$0xD950] =	vst.add.f32.msk $0xffff, v63;
	v2 =	vadd.f32 v2, v45  }
0x243: {  	[tilespmem:s19+$0xD960] =	vst.add.f32.msk $0xffff, v3;
	v1 =	vadd.f32 v1, v4  }
0x244: {  	[tilespmem:s19+$0xD970] =	vst.add.f32.msk $0xffff, v2;
	v2 =	vadd.f32 v7, v6  }
0x245: {  	v0 =	vadd.f32 v5, v0;
	[tilespmem:s19+$0xD980] =	vst.add.f32.msk $0xffff, v1  }
0x246: {  	v1 =	vadd.f32 v9, v8;
	[tilespmem:s19+$0xD9A0] =	vst.add.f32.msk $0xffff, v2  }
0x247: {  	[tilespmem:s19+$0xD990] =	vst.add.f32.msk $0xffff, v0;
	v0 =	vadd.f32 v49, v47  }
0x248: {  	v2 =	vadd.f32 v52, v51;
	[tilespmem:s19+$0xD9B0] =	vst.add.f32.msk $0xffff, v1  }
0x249: {  	[tilespmem:s19+$0xD9C0] =	vst.add.f32.msk $0xffff, v0;
	v0 =	vadd.f32 v56, v54  }
0x24a: {  	s5 =	simm.s32 $0x0;
	s21 =	simm.s32 $0x800;
	[tilespmem:s19+$0xD9D0] =	vst.add.f32.msk $0xffff, v2  }
.LBB2_7:
0x24b: {  	[tilespmem:s19+$0xD9E0] =	vst.add.f32.msk $0xffff, v0;
	s19 =	sshra.s32 s21, $0x2  }
0x24c: {  	s5 =	sadd.s32 $0x4, s5;
	v0 =	vld [tilespmem:s19+$0xF9F0]  }
0x24d: {  	p1 =	slt.u32 s5, $0x3C;
	v1 =	vld [tilespmem:s19+$0x119F0]  }
0x24e: {  	v2 =	vld [tilespmem:s19+$0xF800]  }
0x24f: {  	v3 =	vld [tilespmem:s19+$0x11800]  }
0x250: {  	v4 =	vld [tilespmem:s19+$0xF810]  }
0x251: {  	v5 =	vld [tilespmem:s19+$0x11810]  }
0x252: {  	v6 =	vld [tilespmem:s19+$0xF820];
	v1 =	vadd.f32 v1, v0  }
0x253: {  	v7 =	vld [tilespmem:s19+$0x11820]  }
0x254: {  	v0 =	vadd.f32 v3, v2;
	[tilespmem:s19+$0xD9F0] =	vst.add.f32.msk $0xffff, v1  }
0x255: {  	v3 =	vld [tilespmem:s19+$0xF830]  }
0x256: {  	v1 =	vadd.f32 v5, v4;
	v4 =	vld [tilespmem:s19+$0x11830]  }
0x257: {  	v5 =	vld [tilespmem:s19+$0xF840]  }
0x258: {  	v2 =	vadd.f32 v7, v6;
	v6 =	vld [tilespmem:s19+$0x11840]  }
0x259: {  	v7 =	vld [tilespmem:s19+$0xF850]  }
0x25a: {  	v8 =	vld [tilespmem:s19+$0x11850]  }
0x25b: {  	v3 =	vadd.f32 v4, v3;
	v9 =	vld [tilespmem:s19+$0xF860]  }
0x25c: {  	v10 =	vld [tilespmem:s19+$0x11860]  }
0x25d: {  	v4 =	vadd.f32 v6, v5;
	v5 =	vld [tilespmem:s19+$0xF870]  }
0x25e: {  	v6 =	vld [tilespmem:s19+$0x11870]  }
0x25f: {  	v7 =	vadd.f32 v8, v7;
	v8 =	vld [tilespmem:s19+$0xF880]  }
0x260: {  	v11 =	vld [tilespmem:s19+$0x11880]  }
0x261: {  	v9 =	vadd.f32 v10, v9;
	v10 =	vld [tilespmem:s19+$0xF890]  }
0x262: {  	v12 =	vld [tilespmem:s19+$0x11890]  }
0x263: {  	v5 =	vadd.f32 v6, v5;
	v6 =	vld [tilespmem:s19+$0xF8A0]  }
0x264: {  	v13 =	vld [tilespmem:s19+$0x118A0]  }
0x265: {  	v8 =	vadd.f32 v11, v8;
	v11 =	vld [tilespmem:s19+$0xF8B0]  }
0x266: {  	v14 =	vld [tilespmem:s19+$0x118B0]  }
0x267: {  	v10 =	vadd.f32 v12, v10;
	v12 =	vld [tilespmem:s19+$0xF8C0]  }
0x268: {  	v15 =	vld [tilespmem:s19+$0x118C0]  }
0x269: {  	v6 =	vadd.f32 v13, v6;
	v13 =	vld [tilespmem:s19+$0xF8D0]  }
0x26a: {  	v16 =	vld [tilespmem:s19+$0x118D0]  }
0x26b: {  	v11 =	vadd.f32 v14, v11;
	v14 =	vld [tilespmem:s19+$0xF8E0]  }
0x26c: {  	v17 =	vld [tilespmem:s19+$0x118E0]  }
0x26d: {  	v12 =	vadd.f32 v15, v12;
	v15 =	vld [tilespmem:s19+$0xF8F0]  }
0x26e: {  	v18 =	vld [tilespmem:s19+$0x118F0]  }
0x26f: {  	v13 =	vadd.f32 v16, v13;
	v16 =	vld [tilespmem:s19+$0xF900]  }
0x270: {  	v19 =	vld [tilespmem:s19+$0x11900]  }
0x271: {  	v14 =	vadd.f32 v17, v14;
	v17 =	vld [tilespmem:s19+$0xF910]  }
0x272: {  	v20 =	vld [tilespmem:s19+$0x11910]  }
0x273: {  	v15 =	vadd.f32 v18, v15;
	v18 =	vld [tilespmem:s19+$0xF920]  }
0x274: {  	v21 =	vld [tilespmem:s19+$0x11920]  }
0x275: {  	v16 =	vadd.f32 v19, v16;
	v19 =	vld [tilespmem:s19+$0xF930]  }
0x276: {  	v22 =	vld [tilespmem:s19+$0x11930]  }
0x277: {  	v17 =	vadd.f32 v20, v17;
	v20 =	vld [tilespmem:s19+$0xF940]  }
0x278: {  	v23 =	vld [tilespmem:s19+$0x11940]  }
0x279: {  	v18 =	vadd.f32 v21, v18;
	v21 =	vld [tilespmem:s19+$0xF950]  }
0x27a: {  	v24 =	vld [tilespmem:s19+$0x11950]  }
0x27b: {  	v19 =	vadd.f32 v22, v19;
	v22 =	vld [tilespmem:s19+$0xF960]  }
0x27c: {  	v25 =	vld [tilespmem:s19+$0x11960]  }
0x27d: {  	v20 =	vadd.f32 v23, v20;
	v23 =	vld [tilespmem:s19+$0xF970]  }
0x27e: {  	v26 =	vld [tilespmem:s19+$0x11970]  }
0x27f: {  	v21 =	vadd.f32 v24, v21;
	v24 =	vld [tilespmem:s19+$0xF980]  }
0x280: {  	v27 =	vld [tilespmem:s19+$0x11980]  }
0x281: {  	v22 =	vadd.f32 v25, v22;
	v25 =	vld [tilespmem:s19+$0xF990]  }
0x282: {  	v28 =	vld [tilespmem:s19+$0x11990]  }
0x283: {  	v23 =	vadd.f32 v26, v23;
	v26 =	vld [tilespmem:s19+$0xF9A0]  }
0x284: {  	v29 =	vld [tilespmem:s19+$0x119A0]  }
0x285: {  	v24 =	vadd.f32 v27, v24;
	v27 =	vld [tilespmem:s19+$0xF9B0]  }
0x286: {  	v30 =	vld [tilespmem:s19+$0x119B0]  }
0x287: {  	v25 =	vadd.f32 v28, v25;
	v28 =	vld [tilespmem:s19+$0xF9C0]  }
0x288: {  	v31 =	vld [tilespmem:s19+$0x119C0]  }
0x289: {  	v26 =	vadd.f32 v29, v26;
	v29 =	vld [tilespmem:s19+$0xF9D0]  }
0x28a: {  	v32 =	vld [tilespmem:s19+$0x119D0]  }
0x28b: {  	v27 =	vadd.f32 v30, v27;
	v30 =	vld [tilespmem:s19+$0xF9E0]  }
0x28c: {  	v33 =	vld [tilespmem:s19+$0x119E0]  }
0x28d: {  	[tilespmem:s19+$0xD800] =	vst.add.f32.msk $0xffff, v0;
	v28 =	vadd.f32 v31, v28  }
0x28e: {  	[tilespmem:s19+$0xD810] =	vst.add.f32.msk $0xffff, v1  }
0x28f: {  	[tilespmem:s19+$0xD820] =	vst.add.f32.msk $0xffff, v2;
	v1 =	vadd.f32 v32, v29  }
0x290: {  	[tilespmem:s19+$0xD830] =	vst.add.f32.msk $0xffff, v3  }
0x291: {  	[tilespmem:s19+$0xD840] =	vst.add.f32.msk $0xffff, v4;
	v0 =	vadd.f32 v33, v30  }
0x292: {  	[tilespmem:s19+$0xD850] =	vst.add.f32.msk $0xffff, v7  }
0x293: {  	[tilespmem:s19+$0xD860] =	vst.add.f32.msk $0xffff, v9  }
0x294: {  	[tilespmem:s19+$0xD870] =	vst.add.f32.msk $0xffff, v5  }
0x295: {  	[tilespmem:s19+$0xD880] =	vst.add.f32.msk $0xffff, v8  }
0x296: {  	[tilespmem:s19+$0xD890] =	vst.add.f32.msk $0xffff, v10  }
0x297: {  	[tilespmem:s19+$0xD8A0] =	vst.add.f32.msk $0xffff, v6  }
0x298: {  	[tilespmem:s19+$0xD8B0] =	vst.add.f32.msk $0xffff, v11  }
0x299: {  	[tilespmem:s19+$0xD8C0] =	vst.add.f32.msk $0xffff, v12  }
0x29a: {  	[tilespmem:s19+$0xD8D0] =	vst.add.f32.msk $0xffff, v13  }
0x29b: {  	[tilespmem:s19+$0xD8E0] =	vst.add.f32.msk $0xffff, v14  }
0x29c: {  	[tilespmem:s19+$0xD8F0] =	vst.add.f32.msk $0xffff, v15  }
0x29d: {  	[tilespmem:s19+$0xD900] =	vst.add.f32.msk $0xffff, v16  }
0x29e: {  	[tilespmem:s19+$0xD910] =	vst.add.f32.msk $0xffff, v17  }
0x29f: {  	[tilespmem:s19+$0xD920] =	vst.add.f32.msk $0xffff, v18  }
0x2a0: {  	[tilespmem:s19+$0xD930] =	vst.add.f32.msk $0xffff, v19  }
0x2a1: {  	[tilespmem:s19+$0xD940] =	vst.add.f32.msk $0xffff, v20  }
0x2a2: {  	[tilespmem:s19+$0xD950] =	vst.add.f32.msk $0xffff, v21  }
0x2a3: {  	[tilespmem:s19+$0xD960] =	vst.add.f32.msk $0xffff, v22  }
0x2a4: {  	[tilespmem:s19+$0xD970] =	vst.add.f32.msk $0xffff, v23  }
0x2a5: {  	[tilespmem:s19+$0xD980] =	vst.add.f32.msk $0xffff, v24  }
.Ltmp2:
0x2a6: {  	[tilespmem:s19+$0xD990] =	vst.add.f32.msk $0xffff, v25;
	(pc) =	sbr.rel @p1 .LBB2_7-.Ltmp2, $4  }
0x2a7: {  	[tilespmem:s19+$0xD9A0] =	vst.add.f32.msk $0xffff, v26  }
0x2a8: {  	[tilespmem:s19+$0xD9B0] =	vst.add.f32.msk $0xffff, v27  }
0x2a9: {  	[tilespmem:s19+$0xD9C0] =	vst.add.f32.msk $0xffff, v28  }
0x2aa: {  	s21 =	sadd.s32 $0x800, s21;
	[tilespmem:s19+$0xD9D0] =	vst.add.f32.msk $0xffff, v1  }
0x2ab: {  	s5 =	sor.u32 $0x2, s25  }
0x2ac: {  	s21 =	sshll.u32 s5, $0xA  }
0x2ad: {  	[tilespmem:s19+$0xD9E0] =	vst.add.f32.msk $0xffff, v0;
	s24 =	sadd.s32 s21, s13  }
0x2ae: {  	[hbm4b:s24+s4] =	stream.linear.scatter [tilespmem:s22], [sflag:$0xF], $0x2000, $0x38;
	[tilespmem:$0x1B480] =	vst v63  }
0x2af: {  	p1 =	sgt.u32 s5, $0x1D;
	_ =	swait.ge [sflag:s10], $0x2000  }
0x2b0: {  	s5 =	sadd.s32 @!p1 $0x100, s23;
	[sflag:s10] =	ssyncset.done $0x0  }
0x2b1: {  	s19 =	simm.s32 @!p1 $0x40;
	s21 =	simm.s32 @!p1 $0x1800;
	[sflag:s10] =	ssyncadd.s32 $0xFFFFE000  }
0x2b2: {  	[tilespmem:s21], [sflag:$0x1] =	stream.indirect.gather @!p1 [spmem:s2], $0x80, s5, s19, $0xb8;
	[tilespmem:$0x1B480] =	vst v63  }
0x2b3: {  	s5 =	sadd.s32 @!p1 $0x900, s23;
	s21 =	simm.s32 @!p1 $0x3800  }
0x2b4: {  	[tilespmem:s21], [sflag:$0x2] =	stream.indirect.gather @!p1 [spmem:s3], $0x80, s5, s19, $0xb8;
	[tilespmem:$0x1B480] =	vst v63  }
0x2b5: {  	s5 =	sadd.s32 @!p1 $0x1100, s23;
	s21 =	simm.s32 @!p1 $0x5800  }
0x2b6: {  	[tilespmem:s21], [sflag:$0x3] =	stream.indirect.gather @!p1 [hbm4b:s7+s19], $0x80, s5, s19, $0xb8;
	[tilespmem:$0x1B480] =	vst v63  }
0x2b7: {  	_ =	swait.ge [sflag:s14], $0x2000  }
0x2b8: {  	[sflag:s14] =	ssyncset.done $0x0  }
0x2b9: {  	[sflag:s14] =	ssyncadd.s32 $0xFFFFE000  }
0x2ba: {  	_ =	swait.ge [sflag:s15], $0x2000  }
0x2bb: {  	[sflag:s15] =	ssyncset.done $0x0  }
0x2bc: {  	[sflag:s15] =	ssyncadd.s32 $0xFFFFE000  }
0x2bd: {  	_ =	swait.ge [sflag:s16], $0x2000  }
0x2be: {  	[sflag:s16] =	ssyncset.done $0x0  }
0x2bf: {  	s19 =	simm.s32 $0x0;
	[sflag:s16] =	ssyncadd.s32 $0xFFFFE000  }
0x2c0: {  	v0 =	vld [tilespmem:s19+$0x159F0]  }
0x2c1: {  	v1 =	vld [tilespmem:s19+$0x179F0]  }
0x2c2: {  	v2 =	vld [tilespmem:s19+$0x15800]  }
0x2c3: {  	v3 =	vld [tilespmem:s19+$0x17800]  }
0x2c4: {  	v4 =	vld [tilespmem:s19+$0x15810]  }
0x2c5: {  	v5 =	vld [tilespmem:s19+$0x17810]  }
0x2c6: {  	v6 =	vld [tilespmem:s19+$0x15820]  }
0x2c7: {  	v7 =	vld [tilespmem:s19+$0x17830]  }
0x2c8: {  	v8 =	vld [tilespmem:s19+$0x15840]  }
0x2c9: {  	v9 =	vld [tilespmem:s19+$0x17840]  }
0x2ca: {  	v10 =	vld [tilespmem:s19+$0x15850]  }
0x2cb: {  	v11 =	vld [tilespmem:s19+$0x17850]  }
0x2cc: {  	v12 =	vld [tilespmem:s19+$0x15860]  }
0x2cd: {  	v13 =	vld [tilespmem:s19+$0x17860]  }
0x2ce: {  	v14 =	vld [tilespmem:s19+$0x15870]  }
0x2cf: {  	v15 =	vld [tilespmem:s19+$0x17870]  }
0x2d0: {  	v16 =	vld [tilespmem:s19+$0x15880]  }
0x2d1: {  	v17 =	vld [tilespmem:s19+$0x17880]  }
0x2d2: {  	v18 =	vld [tilespmem:s19+$0x15890]  }
0x2d3: {  	v19 =	vld [tilespmem:s19+$0x17890]  }
0x2d4: {  	v20 =	vld [tilespmem:s19+$0x158A0]  }
0x2d5: {  	v21 =	vld [tilespmem:s19+$0x178A0]  }
0x2d6: {  	v22 =	vld [tilespmem:s19+$0x158B0]  }
0x2d7: {  	v23 =	vld [tilespmem:s19+$0x178B0]  }
0x2d8: {  	v24 =	vld [tilespmem:s19+$0x158C0]  }
0x2d9: {  	v25 =	vld [tilespmem:s19+$0x178C0]  }
0x2da: {  	v26 =	vld [tilespmem:s19+$0x158D0]  }
0x2db: {  	v27 =	vld [tilespmem:s19+$0x178D0]  }
0x2dc: {  	v28 =	vld [tilespmem:s19+$0x158E0]  }
0x2dd: {  	v29 =	vld [tilespmem:s19+$0x178E0]  }
0x2de: {  	v30 =	vld [tilespmem:s19+$0x158F0]  }
0x2df: {  	v31 =	vld [tilespmem:s19+$0x178F0]  }
0x2e0: {  	v32 =	vld [tilespmem:s19+$0x15900]  }
0x2e1: {  	v33 =	vld [tilespmem:s19+$0x17900]  }
0x2e2: {  	v34 =	vld [tilespmem:s19+$0x15910]  }
0x2e3: {  	v35 =	vld [tilespmem:s19+$0x17910]  }
0x2e4: {  	v36 =	vld [tilespmem:s19+$0x15920]  }
0x2e5: {  	v37 =	vld [tilespmem:s19+$0x17920]  }
0x2e6: {  	v38 =	vld [tilespmem:s19+$0x15930]  }
0x2e7: {  	v39 =	vld [tilespmem:s19+$0x17930]  }
0x2e8: {  	v40 =	vld [tilespmem:s19+$0x15940]  }
0x2e9: {  	v41 =	vld [tilespmem:s19+$0x17940]  }
0x2ea: {  	v42 =	vld [tilespmem:s19+$0x15950]  }
0x2eb: {  	v43 =	vld [tilespmem:s19+$0x17950]  }
0x2ec: {  	v44 =	vld [tilespmem:s19+$0x15960]  }
0x2ed: {  	v45 =	vld [tilespmem:s19+$0x15970]  }
0x2ee: {  	v47 =	vld [tilespmem:s19+$0x159C0]  }
0x2ef: {  	v49 =	vld [tilespmem:s19+$0x179C0]  }
0x2f0: {  	v51 =	vld [tilespmem:s19+$0x159D0]  }
0x2f1: {  	v52 =	vld [tilespmem:s19+$0x179D0]  }
0x2f2: {  	v54 =	vld [tilespmem:s19+$0x159E0]  }
0x2f3: {  	v56 =	vld [tilespmem:s19+$0x179E0]  }
0x2f4: {  	v0 =	vadd.f32 v1, v0;
	v1 =	vld [tilespmem:s19+$0x17820]  }
0x2f5: {  	v2 =	vadd.f32 v3, v2;
	v3 =	vld [tilespmem:s19+$0x17960]  }
0x2f6: {  	v4 =	vadd.f32 v5, v4;
	v5 =	vld [tilespmem:s19+$0x17990]  }
0x2f7: {  	v9 =	vadd.f32 v9, v8;
	v8 =	vld [tilespmem:s19+$0x159B0]  }
0x2f8: {  	[tilespmem:s19+$0x139F0] =	vst.add.f32.msk $0xffff, v0  }
0x2f9: {  	v0 =	vld [tilespmem:s19+$0x15830]  }
0x2fa: {  	[tilespmem:s19+$0x13800] =	vst.add.f32.msk $0xffff, v2  }
0x2fb: {  	v2 =	vld [tilespmem:s19+$0x17970]  }
0x2fc: {  	[tilespmem:s19+$0x13810] =	vst.add.f32.msk $0xffff, v4  }
0x2fd: {  	v11 =	vadd.f32 v11, v10;
	v4 =	vld [tilespmem:s19+$0x15980]  }
0x2fe: {  	v13 =	vadd.f32 v13, v12;
	[tilespmem:s19+$0x13840] =	vst.add.f32.msk $0xffff, v9  }
0x2ff: {  	v15 =	vadd.f32 v15, v14;
	[tilespmem:s19+$0x13850] =	vst.add.f32.msk $0xffff, v11  }
0x300: {  	v17 =	vadd.f32 v17, v16;
	[tilespmem:s19+$0x13860] =	vst.add.f32.msk $0xffff, v13  }
0x301: {  	[tilespmem:s19+$0x13870] =	vst.add.f32.msk $0xffff, v15  }
0x302: {  	v19 =	vadd.f32 v19, v18;
	[tilespmem:s19+$0x13880] =	vst.add.f32.msk $0xffff, v17  }
0x303: {  	v46 =	vadd.f32 v21, v20;
	v9 =	vld [tilespmem:s19+$0x179B0]  }
0x304: {  	v48 =	vadd.f32 v23, v22;
	[tilespmem:s19+$0x13890] =	vst.add.f32.msk $0xffff, v19  }
0x305: {  	v50 =	vadd.f32 v25, v24;
	[tilespmem:s19+$0x138A0] =	vst.add.f32.msk $0xffff, v46  }
0x306: {  	v53 =	vadd.f32 v27, v26;
	[tilespmem:s19+$0x138B0] =	vst.add.f32.msk $0xffff, v48  }
0x307: {  	v55 =	vadd.f32 v29, v28;
	[tilespmem:s19+$0x138C0] =	vst.add.f32.msk $0xffff, v50  }
0x308: {  	v57 =	vadd.f32 v31, v30;
	[tilespmem:s19+$0x138D0] =	vst.add.f32.msk $0xffff, v53  }
0x309: {  	v58 =	vadd.f32 v33, v32;
	[tilespmem:s19+$0x138E0] =	vst.add.f32.msk $0xffff, v55  }
0x30a: {  	v59 =	vadd.f32 v35, v34;
	[tilespmem:s19+$0x138F0] =	vst.add.f32.msk $0xffff, v57  }
0x30b: {  	v60 =	vadd.f32 v37, v36;
	[tilespmem:s19+$0x13900] =	vst.add.f32.msk $0xffff, v58  }
0x30c: {  	v61 =	vadd.f32 v39, v38;
	[tilespmem:s19+$0x13910] =	vst.add.f32.msk $0xffff, v59  }
0x30d: {  	[tilespmem:s19+$0x13920] =	vst.add.f32.msk $0xffff, v60  }
0x30e: {  	[tilespmem:s19+$0x13930] =	vst.add.f32.msk $0xffff, v61;
	v1 =	vadd.f32 v1, v6  }
0x30f: {  	v6 =	vld [tilespmem:s19+$0x159A0]  }
0x310: {  	[tilespmem:s19+$0x13820] =	vst.add.f32.msk $0xffff, v1  }
0x311: {  	v0 =	vadd.f32 v7, v0;
	v1 =	vld [tilespmem:s19+$0x17980]  }
0x312: {  	v7 =	vld [tilespmem:s19+$0x179A0]  }
0x313: {  	v62 =	vadd.f32 v41, v40;
	[tilespmem:s19+$0x13830] =	vst.add.f32.msk $0xffff, v0  }
0x314: {  	v63 =	vadd.f32 v43, v42;
	v0 =	vld [tilespmem:s19+$0x15990]  }
0x315: {  	[tilespmem:s19+$0x13940] =	vst.add.f32.msk $0xffff, v62;
	v3 =	vadd.f32 v3, v44  }
0x316: {  	[tilespmem:s19+$0x13950] =	vst.add.f32.msk $0xffff, v63;
	v2 =	vadd.f32 v2, v45  }
0x317: {  	[tilespmem:s19+$0x13960] =	vst.add.f32.msk $0xffff, v3;
	v1 =	vadd.f32 v1, v4  }
0x318: {  	[tilespmem:s19+$0x13970] =	vst.add.f32.msk $0xffff, v2;
	v2 =	vadd.f32 v7, v6  }
0x319: {  	v0 =	vadd.f32 v5, v0;
	[tilespmem:s19+$0x13980] =	vst.add.f32.msk $0xffff, v1  }
0x31a: {  	v1 =	vadd.f32 v9, v8;
	[tilespmem:s19+$0x139A0] =	vst.add.f32.msk $0xffff, v2  }
0x31b: {  	[tilespmem:s19+$0x13990] =	vst.add.f32.msk $0xffff, v0;
	v0 =	vadd.f32 v49, v47  }
0x31c: {  	v2 =	vadd.f32 v52, v51;
	[tilespmem:s19+$0x139B0] =	vst.add.f32.msk $0xffff, v1  }
0x31d: {  	[tilespmem:s19+$0x139C0] =	vst.add.f32.msk $0xffff, v0;
	v0 =	vadd.f32 v56, v54  }
0x31e: {  	s5 =	simm.s32 $0x0;
	s21 =	simm.s32 $0x800;
	[tilespmem:s19+$0x139D0] =	vst.add.f32.msk $0xffff, v2  }
.LBB2_9:
0x31f: {  	[tilespmem:s19+$0x139E0] =	vst.add.f32.msk $0xffff, v0;
	s19 =	sshra.s32 s21, $0x2  }
0x320: {  	s5 =	sadd.s32 $0x4, s5;
	v0 =	vld [tilespmem:s19+$0x159F0]  }
0x321: {  	p1 =	slt.u32 s5, $0x3C;
	v1 =	vld [tilespmem:s19+$0x179F0]  }
0x322: {  	v2 =	vld [tilespmem:s19+$0x15800]  }
0x323: {  	v3 =	vld [tilespmem:s19+$0x17800]  }
0x324: {  	v4 =	vld [tilespmem:s19+$0x15810]  }
0x325: {  	v5 =	vld [tilespmem:s19+$0x17810]  }
0x326: {  	v6 =	vld [tilespmem:s19+$0x15820];
	v1 =	vadd.f32 v1, v0  }
0x327: {  	v7 =	vld [tilespmem:s19+$0x17820]  }
0x328: {  	v0 =	vadd.f32 v3, v2;
	[tilespmem:s19+$0x139F0] =	vst.add.f32.msk $0xffff, v1  }
0x329: {  	v3 =	vld [tilespmem:s19+$0x15830]  }
0x32a: {  	v1 =	vadd.f32 v5, v4;
	v4 =	vld [tilespmem:s19+$0x17830]  }
0x32b: {  	v5 =	vld [tilespmem:s19+$0x15840]  }
0x32c: {  	v2 =	vadd.f32 v7, v6;
	v6 =	vld [tilespmem:s19+$0x17840]  }
0x32d: {  	v7 =	vld [tilespmem:s19+$0x15850]  }
0x32e: {  	v8 =	vld [tilespmem:s19+$0x17850]  }
0x32f: {  	v3 =	vadd.f32 v4, v3;
	v9 =	vld [tilespmem:s19+$0x15860]  }
0x330: {  	v10 =	vld [tilespmem:s19+$0x17860]  }
0x331: {  	v4 =	vadd.f32 v6, v5;
	v5 =	vld [tilespmem:s19+$0x15870]  }
0x332: {  	v6 =	vld [tilespmem:s19+$0x17870]  }
0x333: {  	v7 =	vadd.f32 v8, v7;
	v8 =	vld [tilespmem:s19+$0x15880]  }
0x334: {  	v11 =	vld [tilespmem:s19+$0x17880]  }
0x335: {  	v9 =	vadd.f32 v10, v9;
	v10 =	vld [tilespmem:s19+$0x15890]  }
0x336: {  	v12 =	vld [tilespmem:s19+$0x17890]  }
0x337: {  	v5 =	vadd.f32 v6, v5;
	v6 =	vld [tilespmem:s19+$0x158A0]  }
0x338: {  	v13 =	vld [tilespmem:s19+$0x178A0]  }
0x339: {  	v8 =	vadd.f32 v11, v8;
	v11 =	vld [tilespmem:s19+$0x158B0]  }
0x33a: {  	v14 =	vld [tilespmem:s19+$0x178B0]  }
0x33b: {  	v10 =	vadd.f32 v12, v10;
	v12 =	vld [tilespmem:s19+$0x158C0]  }
0x33c: {  	v15 =	vld [tilespmem:s19+$0x178C0]  }
0x33d: {  	v6 =	vadd.f32 v13, v6;
	v13 =	vld [tilespmem:s19+$0x158D0]  }
0x33e: {  	v16 =	vld [tilespmem:s19+$0x178D0]  }
0x33f: {  	v11 =	vadd.f32 v14, v11;
	v14 =	vld [tilespmem:s19+$0x158E0]  }
0x340: {  	v17 =	vld [tilespmem:s19+$0x178E0]  }
0x341: {  	v12 =	vadd.f32 v15, v12;
	v15 =	vld [tilespmem:s19+$0x158F0]  }
0x342: {  	v18 =	vld [tilespmem:s19+$0x178F0]  }
0x343: {  	v13 =	vadd.f32 v16, v13;
	v16 =	vld [tilespmem:s19+$0x15900]  }
0x344: {  	v19 =	vld [tilespmem:s19+$0x17900]  }
0x345: {  	v14 =	vadd.f32 v17, v14;
	v17 =	vld [tilespmem:s19+$0x15910]  }
0x346: {  	v20 =	vld [tilespmem:s19+$0x17910]  }
0x347: {  	v15 =	vadd.f32 v18, v15;
	v18 =	vld [tilespmem:s19+$0x15920]  }
0x348: {  	v21 =	vld [tilespmem:s19+$0x17920]  }
0x349: {  	v16 =	vadd.f32 v19, v16;
	v19 =	vld [tilespmem:s19+$0x15930]  }
0x34a: {  	v22 =	vld [tilespmem:s19+$0x17930]  }
0x34b: {  	v17 =	vadd.f32 v20, v17;
	v20 =	vld [tilespmem:s19+$0x15940]  }
0x34c: {  	v23 =	vld [tilespmem:s19+$0x17940]  }
0x34d: {  	v18 =	vadd.f32 v21, v18;
	v21 =	vld [tilespmem:s19+$0x15950]  }
0x34e: {  	v24 =	vld [tilespmem:s19+$0x17950]  }
0x34f: {  	v19 =	vadd.f32 v22, v19;
	v22 =	vld [tilespmem:s19+$0x15960]  }
0x350: {  	v25 =	vld [tilespmem:s19+$0x17960]  }
0x351: {  	v20 =	vadd.f32 v23, v20;
	v23 =	vld [tilespmem:s19+$0x15970]  }
0x352: {  	v26 =	vld [tilespmem:s19+$0x17970]  }
0x353: {  	v21 =	vadd.f32 v24, v21;
	v24 =	vld [tilespmem:s19+$0x15980]  }
0x354: {  	v27 =	vld [tilespmem:s19+$0x17980]  }
0x355: {  	v22 =	vadd.f32 v25, v22;
	v25 =	vld [tilespmem:s19+$0x15990]  }
0x356: {  	v28 =	vld [tilespmem:s19+$0x17990]  }
0x357: {  	v23 =	vadd.f32 v26, v23;
	v26 =	vld [tilespmem:s19+$0x159A0]  }
0x358: {  	v29 =	vld [tilespmem:s19+$0x179A0]  }
0x359: {  	v24 =	vadd.f32 v27, v24;
	v27 =	vld [tilespmem:s19+$0x159B0]  }
0x35a: {  	v30 =	vld [tilespmem:s19+$0x179B0]  }
0x35b: {  	v25 =	vadd.f32 v28, v25;
	v28 =	vld [tilespmem:s19+$0x159C0]  }
0x35c: {  	v31 =	vld [tilespmem:s19+$0x179C0]  }
0x35d: {  	v26 =	vadd.f32 v29, v26;
	v29 =	vld [tilespmem:s19+$0x159D0]  }
0x35e: {  	v32 =	vld [tilespmem:s19+$0x179D0]  }
0x35f: {  	v27 =	vadd.f32 v30, v27;
	v30 =	vld [tilespmem:s19+$0x159E0]  }
0x360: {  	v33 =	vld [tilespmem:s19+$0x179E0]  }
0x361: {  	[tilespmem:s19+$0x13800] =	vst.add.f32.msk $0xffff, v0;
	v28 =	vadd.f32 v31, v28  }
0x362: {  	[tilespmem:s19+$0x13810] =	vst.add.f32.msk $0xffff, v1  }
0x363: {  	[tilespmem:s19+$0x13820] =	vst.add.f32.msk $0xffff, v2;
	v1 =	vadd.f32 v32, v29  }
0x364: {  	[tilespmem:s19+$0x13830] =	vst.add.f32.msk $0xffff, v3  }
0x365: {  	[tilespmem:s19+$0x13840] =	vst.add.f32.msk $0xffff, v4;
	v0 =	vadd.f32 v33, v30  }
0x366: {  	[tilespmem:s19+$0x13850] =	vst.add.f32.msk $0xffff, v7  }
0x367: {  	[tilespmem:s19+$0x13860] =	vst.add.f32.msk $0xffff, v9  }
0x368: {  	[tilespmem:s19+$0x13870] =	vst.add.f32.msk $0xffff, v5  }
0x369: {  	[tilespmem:s19+$0x13880] =	vst.add.f32.msk $0xffff, v8  }
0x36a: {  	[tilespmem:s19+$0x13890] =	vst.add.f32.msk $0xffff, v10  }
0x36b: {  	[tilespmem:s19+$0x138A0] =	vst.add.f32.msk $0xffff, v6  }
0x36c: {  	[tilespmem:s19+$0x138B0] =	vst.add.f32.msk $0xffff, v11  }
0x36d: {  	[tilespmem:s19+$0x138C0] =	vst.add.f32.msk $0xffff, v12  }
0x36e: {  	[tilespmem:s19+$0x138D0] =	vst.add.f32.msk $0xffff, v13  }
0x36f: {  	[tilespmem:s19+$0x138E0] =	vst.add.f32.msk $0xffff, v14  }
0x370: {  	[tilespmem:s19+$0x138F0] =	vst.add.f32.msk $0xffff, v15  }
0x371: {  	[tilespmem:s19+$0x13900] =	vst.add.f32.msk $0xffff, v16  }
0x372: {  	[tilespmem:s19+$0x13910] =	vst.add.f32.msk $0xffff, v17  }
0x373: {  	[tilespmem:s19+$0x13920] =	vst.add.f32.msk $0xffff, v18  }
0x374: {  	[tilespmem:s19+$0x13930] =	vst.add.f32.msk $0xffff, v19  }
0x375: {  	[tilespmem:s19+$0x13940] =	vst.add.f32.msk $0xffff, v20  }
0x376: {  	[tilespmem:s19+$0x13950] =	vst.add.f32.msk $0xffff, v21  }
0x377: {  	[tilespmem:s19+$0x13960] =	vst.add.f32.msk $0xffff, v22  }
0x378: {  	[tilespmem:s19+$0x13970] =	vst.add.f32.msk $0xffff, v23  }
0x379: {  	[tilespmem:s19+$0x13980] =	vst.add.f32.msk $0xffff, v24  }
.Ltmp3:
0x37a: {  	[tilespmem:s19+$0x13990] =	vst.add.f32.msk $0xffff, v25;
	(pc) =	sbr.rel @p1 .LBB2_9-.Ltmp3, $4  }
0x37b: {  	[tilespmem:s19+$0x139A0] =	vst.add.f32.msk $0xffff, v26  }
0x37c: {  	[tilespmem:s19+$0x139B0] =	vst.add.f32.msk $0xffff, v27  }
0x37d: {  	[tilespmem:s19+$0x139C0] =	vst.add.f32.msk $0xffff, v28  }
0x37e: {  	s21 =	sadd.s32 $0x800, s21;
	[tilespmem:s19+$0x139D0] =	vst.add.f32.msk $0xffff, v1  }
0x37f: {  	s5 =	sor.u32 $0x3, s25  }
0x380: {  	s21 =	sshll.u32 s5, $0xA  }
0x381: {  	[tilespmem:s19+$0x139E0] =	vst.add.f32.msk $0xffff, v0;
	s25 =	sadd.s32 s21, s13  }
0x382: {  	[hbm4b:s25+s4] =	stream.linear.scatter [tilespmem:s18], [sflag:$0x10], $0x2000, $0x38;
	[tilespmem:$0x1B480] =	vst v63  }
0x383: {  	p1 =	sgt.u32 s5, $0x1D;
	_ =	swait.ge [sflag:s17], $0x2000  }
0x384: {  	s5 =	sadd.s32 @!p1 $0x140, s23;
	[sflag:s17] =	ssyncset.done $0x0  }
0x385: {  	s19 =	simm.s32 @!p1 $0x40;
	s21 =	simm.s32 @!p1 $0x7800;
	[sflag:s17] =	ssyncadd.s32 $0xFFFFE000  }
0x386: {  	[tilespmem:s21], [sflag:$0x4] =	stream.indirect.gather @!p1 [spmem:s2], $0x80, s5, s19, $0xb8;
	[tilespmem:$0x1B480] =	vst v63  }
0x387: {  	s5 =	sadd.s32 @!p1 $0x940, s23;
	s21 =	simm.s32 @!p1 $0x9800  }
0x388: {  	[tilespmem:s21], [sflag:$0x5] =	stream.indirect.gather @!p1 [spmem:s3], $0x80, s5, s19, $0xb8;
	[tilespmem:$0x1B480] =	vst v63  }
0x389: {  	s1 =	sadd.s32 $0x1, s1;
	s5 =	sadd.s32 @!p1 $0x1140, s23;
	s21 =	simm.s32 @!p1 $0xB800  }
0x38a: {  	[tilespmem:s21], [sflag:$0x6] =	stream.indirect.gather @!p1 [hbm4b:s7+s19], $0x80, s5, s19, $0xb8;
	[tilespmem:$0x1B480] =	vst v63  }
0x38b: {  	p1 =	sne.s32 s1, $0x8  }
.Ltmp4:
0x38c: {  	_ = 	snop;
	(pc) =	sbr.rel @p1 .LBB2_2-.Ltmp4, $1  }
0x38d: {  	_ =	sdelay $0x3  }
0x38e: {  	s1 =	simm.s32 $0xF  }
0x38f: {  	_ =	swait.ge [sflag:s1], $0x2000  }
0x390: {  	[sflag:s1] =	ssyncset.done $0x0  }
0x391: {  	s5 =	simm.s32 $0x10;
	[sflag:s1] =	ssyncadd.s32 $0xFFFFE000  }
0x392: {  	_ =	swait.ge [sflag:s5], $0x2000  }
0x393: {  	s19 =	rddreg [dreg:$0xe]  }
0x394: {  	s25 =	rddreg [dreg:$0xb];
	s19 =	sadd.s32 $0x1, s19  }
0x395: {  	p1 =	sne.s32 s19, s25  }
.Ltmp5:
0x396: {  	_ = 	snop;
	(pc) =	sbr.rel @p1 .LBB2_1-.Ltmp5, $3  }
0x397: {  	_ =	sdelay $0x1  }
0x398: {  	[sflag:s5] =	ssyncset.done $0x0  }
0x399: {  	[sflag:s5] =	ssyncadd.s32 $0xFFFFE000  }
0x39a: {  	_ =	sfence.sel $0x180000  }
0x39b: {  	[bflag:$0x0] =	sbarrier.arrive $0xFFFF  }
0x39c: {  	_ =	strace $0x90000047  }
0x39d: {  	[bflag:$0x2] =	sbarrier.arrive $0xFFFF  }
0x39e: {  	s0 =	rddreg [dreg:$0x5]  }
0x39f: {  	s0 =	sadd.s32 @!p0 $0x100000, s0  }
0x3a0: {  	[sflag:s0] =	ssyncadd.tile.s32 @!p0 $0x1;
	_ =	shalt  }
.Lfunc_end2:
_tile_overlayer_lowered:
.L_overlay_start_2:
0x3a1: {  	(tag) =	ssettag $0x2  }
0x3a2: {  	s0 =	rddreg [dreg:$0x0];
	s2 =	stileid.u32  }
0x3a3: {  	s1 =	rddreg [dreg:$0x1];
	p0 =	sne.s32 s2, $0x0  }
0x3a4: {  	s3 =	rddreg [dreg:$0x2];
	[bflag:$0x3] =	sbarrier.arrive $0xFFFF;
	s2 =	simm.s32 @!p0 $0x1C11  }
0x3a5: {  	[timem:s3], [sflag:s2] =	dma.local @!p0 [hbm:s0], s1  }
0x3a6: {  	s0 =	simm.s32 @!p0 $0x11  }
0x3a7: {  	_ =	swait.ge @!p0 [sflag:s0], s1  }
0x3a8: {  	s1 =	ssub.s32 @!p0 $0x0, s1;
	[sflag:s0] =	ssyncset.done @!p0 $0x0  }
0x3a9: {  	[sflag:s0] =	ssyncadd.s32 @!p0 s1  }
0x3aa: {  	[bflag:$0x3] =	sbarrier.arrive $0xFFFF  }
0x3ab: {  	_ =	shalt  }

</sc_bundles>
